<compile_context>
chip_gen: v7x
topology: tpu7x:2x2x1
jax: 0.10.2.dev20260603
libtpu: 0.0.44.dev20260713+nightly
codegen_flags: <defaults>
</compile_context>

<pallas_src>
import functools

import jax
import jax.numpy as jnp
from jax import lax
from jax.experimental import pallas as pl
from jax.experimental.pallas import tpu as pltpu
from jax.experimental.pallas import tpu_sc as plsc

N = 10000
E = 320000
D_IN = 128
H1 = 32
H2 = 64
G1 = 128
G2 = 256
PH = 32

NC = 2
NS = 16
NW = NC * NS
K = 80
EPT = E // NS
CHUNKS = EPT // K
NPAIRS = CHUNKS // 2
KV = K // 16
N_PAD = 10240
ROWS_PT = N_PAD // NS
DW = 128
HALF = 5120
TRASH = HALF
TBL = 5248
ZRO_PT = TBL // NS
OUT_PT = HALF // NS


@functools.lru_cache(maxsize=None)
def _mesh():
    return plsc.VectorSubcoreMesh(core_axis_name="c", subcore_axis_name="s",
                                  num_cores=NC, num_subcores=NS)


DEG_ROWS = N_PAD // DW
DEG_CPT = E // NW // K


def _deg_body(src_hbm, rowid_hbm, zeros_hbm, out_hbm,
              idx_v, rowid_v, hist_v, tbl_sh):
    c = lax.axis_index("c")
    s = lax.axis_index("s")
    wid = c * NS + s
    pltpu.sync_copy(src_hbm.at[wid], idx_v)
    pltpu.sync_copy(rowid_hbm, rowid_v)

    @pl.when(s == 0)
    def _():
        pltpu.sync_copy(zeros_hbm, tbl_sh)

    def zero(r, carry):
        for v in range(DW // 16):
            hist_v[r, pl.ds(v * 16, 16)] = jnp.zeros((16,), jnp.float32)
        return carry

    lax.fori_loop(0, DEG_ROWS, zero, 0)

    ones16 = jnp.ones((16,), jnp.float32)

    def count(r, carry):
        for v in range(KV):
            iv = idx_v[r, pl.ds(v * 16, 16)]
            rv = lax.shift_right_logical(iv, jnp.int32(7))
            cv = iv & jnp.int32(127)
            plsc.addupdate_scatter(hist_v, [rv, cv], ones16)
        return carry

    lax.fori_loop(0, DEG_CPT, count, 0)
    plsc.subcore_barrier()
    pltpu.sync_copy(hist_v, tbl_sh.at[rowid_v.at[0]], add=True)
    plsc.subcore_barrier()

    @pl.when(s == 0)
    def _():
        pltpu.sync_copy(tbl_sh, out_hbm.at[c])


@functools.lru_cache(maxsize=None)
def _deg_call():
    return pl.kernel(
        _deg_body,
        out_type=jax.ShapeDtypeStruct((NC, DEG_ROWS, DW), jnp.float32),
        mesh=_mesh(),
        scratch_types=[
            pltpu.VMEM((DEG_CPT, K), jnp.int32),
            pltpu.VMEM((1, DEG_ROWS), jnp.int32),
            pltpu.VMEM((DEG_ROWS, DW), jnp.float32),
            pltpu.VMEM_SHARED((DEG_ROWS, DW), jnp.float32),
        ],
        compiler_params=pltpu.CompilerParams(needs_layout_passes=False),
    )


def _agg_body(x_hbm, src_hbm, dst_hbm, zeros_hbm, out_hbm,
              sidx_v, didx_v, msg_a, msg_b, sem_a, sem_b, agg_sh):
    c = lax.axis_index("c")
    s = lax.axis_index("s")
    pltpu.sync_copy(zeros_hbm, agg_sh.at[pl.ds(s * ZRO_PT, ZRO_PT)])
    pltpu.sync_copy(src_hbm.at[s], sidx_v)
    pltpu.sync_copy(dst_hbm.at[s], didx_v)

    base = c * HALF

    def rewrite(r, carry):
        for v in range(KV):
            dv = didx_v[r, pl.ds(v * 16, 16)]
            t = dv - base
            ok = (t >= 0) & (t < HALF)
            didx_v[r, pl.ds(v * 16, 16)] = jnp.where(ok, t, TRASH)
        return carry

    lax.fori_loop(0, CHUNKS, rewrite, 0)
    plsc.subcore_barrier()

    pltpu.async_copy(x_hbm.at[sidx_v.at[0]], msg_a, sem_a)

    def pair(i, carry):
        a = 2 * i
        pltpu.async_copy(x_hbm.at[sidx_v.at[a + 1]], msg_b, sem_b)
        pltpu.make_async_copy(x_hbm.at[sidx_v.at[a]], msg_a, sem_a).wait()
        pltpu.sync_copy(msg_a, agg_sh.at[didx_v.at[a]], add=True)

        @pl.when(i < NPAIRS - 1)
        def _():
            pltpu.async_copy(x_hbm.at[sidx_v.at[a + 2]], msg_a, sem_a)

        pltpu.make_async_copy(x_hbm.at[sidx_v.at[a + 1]], msg_b, sem_b).wait()
        pltpu.sync_copy(msg_b, agg_sh.at[didx_v.at[a + 1]], add=True)
        return carry

    lax.fori_loop(0, NPAIRS, pair, 0)
    plsc.subcore_barrier()
    pltpu.sync_copy(agg_sh.at[pl.ds(s * OUT_PT, OUT_PT)],
                    out_hbm.at[c, pl.ds(s * OUT_PT, OUT_PT)])


@functools.lru_cache(maxsize=None)
def _agg_call():
    return pl.kernel(
        _agg_body,
        out_type=jax.ShapeDtypeStruct((NC, HALF, DW), jnp.float32),
        mesh=_mesh(),
        scratch_types=[
            pltpu.VMEM((CHUNKS, K), jnp.int32),
            pltpu.VMEM((CHUNKS, K), jnp.int32),
            pltpu.VMEM((K, DW), jnp.float32),
            pltpu.VMEM((K, DW), jnp.float32),
            pltpu.SemaphoreType.DMA,
            pltpu.SemaphoreType.DMA,
            pltpu.VMEM_SHARED((TBL, DW), jnp.float32),
        ],
    )


def _mm(a, b):
    return jnp.dot(a, b)


def _rsqrt(x):
    r = lax.rsqrt(x)
    return r * (1.5 - 0.5 * x * r * r)


def _grid_to_col(grid):
    si = lax.broadcasted_iota(jnp.int32, (N_PAD, DEG_ROWS), 0)
    ri = lax.broadcasted_iota(jnp.int32, (N_PAD, DEG_ROWS), 1)
    p = jnp.where(lax.shift_right_logical(si, 7) == ri, 1.0, 0.0)
    sj = lax.broadcasted_iota(jnp.int32, (N_PAD, DW), 0)
    lj = lax.broadcasted_iota(jnp.int32, (N_PAD, DW), 1)
    q = jnp.where((sj & 127) == lj, 1.0, 0.0)
    rep = _mm(p, grid)
    col = jnp.sum(rep * q, axis=1, keepdims=True)
    return col[0:N]


def _tc1_body(feat, w1, b1, w2, b2, cnt, h1s, normo):
    x = jnp.maximum(_mm(feat[:], w1[:]) + b1[:], 0.0)
    x = jnp.maximum(_mm(x, w2[:]) + b2[:], 0.0)
    dsrc = _grid_to_col(cnt[0] + cnt[1])
    no = _rsqrt(jnp.maximum(dsrc, 1.0))
    h1s[:, 0:H2] = x * no
    h1s[:, H2:DW] = jnp.zeros((N, DW - H2), jnp.float32)
    h1s[:, DW - 1:DW] = jnp.ones((N, 1), jnp.float32)
    normo[:] = no


_tc1_call = pl.pallas_call(
    _tc1_body,
    out_shape=[
        jax.ShapeDtypeStruct((N, DW), jnp.float32),
        jax.ShapeDtypeStruct((N, 1), jnp.float32),
    ],
)


def _tc2_body(agg, wc, bc, g, b, no, h2s, normi):
    degi = jnp.concatenate(
        [agg[0, :, DW - 1:DW], agg[1, 0:N - HALF, DW - 1:DW]], axis=0)
    ni = _rsqrt(jnp.maximum(degi, 1.0))
    am = jnp.concatenate([agg[0, :, 0:H2], agg[1, 0:N - HALF, 0:H2]], axis=0)
    a = am * ni
    y = _mm(a, wc[:]) + bc[:]
    mu = jnp.mean(y, axis=0, keepdims=True)
    var = jnp.mean((y - mu) ** 2, axis=0, keepdims=True)
    ybn = (y - mu) * _rsqrt(var + 1e-5) * g[:] + b[:]
    h2s[:] = jnp.maximum(ybn, 0.0) * no[:]
    normi[:] = ni


_tc2_call = pl.pallas_call(
    _tc2_body,
    out_shape=[
        jax.ShapeDtypeStruct((N, G1), jnp.float32),
        jax.ShapeDtypeStruct((N, 1), jnp.float32),
    ],
)


def _tc3_body(agg, wc, bc, g, b, ni, wd1, bd1, wd2, bd2, out):
    am = jnp.concatenate([agg[0], agg[1, 0:N - HALF, :]], axis=0)
    a = am * ni[:]
    z = _mm(a, wc[:]) + bc[:]
    mu = jnp.mean(z, axis=0, keepdims=True)
    var = jnp.mean((z - mu) ** 2, axis=0, keepdims=True)
    zbn = (z - mu) * _rsqrt(var + 1e-5) * g[:] + b[:]
    zr = jnp.maximum(zbn, 0.0)
    pooled = jnp.mean(zr, axis=0, keepdims=True)
    t = jnp.maximum(_mm(pooled, wd1[:]) + bd1[:], 0.0)
    out[:] = _mm(t, wd2[:]) + bd2[:]


_tc3_call = pl.pallas_call(
    _tc3_body,
    out_shape=jax.ShapeDtypeStruct((1, 1), jnp.float32),
)


def kernel(feat, edge_index, W_enc1, b_enc1, W_enc2, b_enc2, W_conv1, b_conv1,
           W_conv2, b_conv2, bn1_g, bn1_b, bn2_g, bn2_b, W_dec1, b_dec1,
           W_dec2, b_dec2):
    src3d = edge_index[0].reshape(NS, CHUNKS, K)
    dst3d = edge_index[1].reshape(NS, CHUNKS, K)
    src_deg = edge_index[0].reshape(NW, DEG_CPT, K)
    rowid = jnp.arange(DEG_ROWS, dtype=jnp.int32).reshape(1, DEG_ROWS)
    zeros_deg = jnp.zeros((DEG_ROWS, DW), jnp.float32)
    zeros_agg = jnp.zeros((ZRO_PT, DW), jnp.float32)

    cnt = _deg_call()(src_deg, rowid, zeros_deg)
    h1s, normo = _tc1_call(feat, W_enc1, b_enc1, W_enc2, b_enc2, cnt)
    agg1 = _agg_call()(h1s, src3d, dst3d, zeros_agg)
    h2s, normi = _tc2_call(agg1, W_conv1, b_conv1, bn1_g, bn1_b, normo)
    agg2 = _agg_call()(h2s, src3d, dst3d, zeros_agg)
    out = _tc3_call(agg2, W_conv2, b_conv2, bn2_g, bn2_b, normi,
                    W_dec1, b_dec1, W_dec2, b_dec2)
    return out

# --- scband reference (transcript-rebuilt; emitter-appended) ---
"""Pipeline reference for scband-gcnmodel-48034914238529 (READ-ONLY COPY).

The authoritative reference and input builder live on the scoring server;
editing this copy changes nothing except your own understanding.
"""

import jax, jax.numpy as jnp
import numpy as np

N = 10000
E = 320000
D_IN = 128
H1 = 32
H2 = 64
G1 = 128
G2 = 256
PH = 32


def setup_inputs(seed: int = 0) -> dict:
    key = jax.random.key(seed)
    ks = jax.random.split(key, 20)
    feat = jax.random.normal(ks[0], (N, D_IN), dtype=jnp.float32)
    edge_index = jax.random.randint(ks[1], (2, E), 0, N, dtype=jnp.int32)
    s = 0.05
    return {
        "feat": feat,
        "edge_index": edge_index,
        "W_enc1": jax.random.normal(ks[2], (D_IN, H1), jnp.float32) * s,
        "b_enc1": jnp.zeros((H1,), jnp.float32),
        "W_enc2": jax.random.normal(ks[3], (H1, H2), jnp.float32) * s,
        "b_enc2": jnp.zeros((H2,), jnp.float32),
        "W_conv1": jax.random.normal(ks[4], (H2, G1), jnp.float32) * s,
        "b_conv1": jnp.zeros((G1,), jnp.float32),
        "W_conv2": jax.random.normal(ks[5], (G1, G2), jnp.float32) * s,
        "b_conv2": jnp.zeros((G2,), jnp.float32),
        "bn1_g": jnp.ones((G1,), jnp.float32),
        "bn1_b": jnp.zeros((G1,), jnp.float32),
        "bn2_g": jnp.ones((G2,), jnp.float32),
        "bn2_b": jnp.zeros((G2,), jnp.float32),
        "W_dec1": jax.random.normal(ks[6], (G2, PH), jnp.float32) * s,
        "b_dec1": jnp.zeros((PH,), jnp.float32),
        "W_dec2": jax.random.normal(ks[7], (PH, 1), jnp.float32) * s,
        "b_dec2": jnp.zeros((1,), jnp.float32),
    }


def _gcn_conv(x, src, dst, W, b, n_nodes):
    # DGL GraphConv, norm='both': h_v = D_in(v)^{-1/2} * sum_{u->v} D_out(u)^{-1/2} x_u, then W,b
    ones = jnp.ones((src.shape[0],), x.dtype)
    deg_out = jnp.zeros((n_nodes,), x.dtype).at[src].add(ones)
    deg_in = jnp.zeros((n_nodes,), x.dtype).at[dst].add(ones)
    norm_out = jnp.clip(deg_out, 1.0, None) ** -0.5
    norm_in = jnp.clip(deg_in, 1.0, None) ** -0.5
    h = x * norm_out[:, None]
    msg = jnp.take(h, src, axis=0)
    agg = jnp.zeros((n_nodes, x.shape[1]), x.dtype).at[dst].add(msg)
    agg = agg * norm_in[:, None]
    return agg @ W + b


def _batchnorm(x, g, b, eps=1e-5):
    mu = jnp.mean(x, axis=0)
    var = jnp.var(x, axis=0)
    return (x - mu) / jnp.sqrt(var + eps) * g + b


def reference(feat, edge_index, W_enc1, b_enc1, W_enc2, b_enc2, W_conv1, b_conv1,
              W_conv2, b_conv2, bn1_g, bn1_b, bn2_g, bn2_b, W_dec1, b_dec1, W_dec2, b_dec2):
    src = edge_index[0]
    dst = edge_index[1]
    n_nodes = feat.shape[0]
    # encoder MLP
    x = jax.nn.relu(feat @ W_enc1 + b_enc1)
    x = jax.nn.relu(x @ W_enc2 + b_enc2)
    # conv_1 -> bn1 -> relu (dropout is identity in eval)
    x = _gcn_conv(x, src, dst, W_conv1, b_conv1, n_nodes)
    x = jax.nn.relu(_batchnorm(x, bn1_g, bn1_b))
    # conv_2 -> bn2 -> relu
    x = _gcn_conv(x, src, dst, W_conv2, b_conv2, n_nodes)
    x = jax.nn.relu(_batchnorm(x, bn2_g, bn2_b))
    # AvgPooling readout (single graph -> [1, G2])
    pooled = jnp.mean(x, axis=0, keepdims=True)
    # predict MLP
    o = jax.nn.relu(pooled @ W_dec1 + b_dec1) @ W_dec2 + b_dec2
    return o

if __name__ == "__main__":
    import jax
    _d = setup_inputs()
    print(jax.jit(kernel)(*tuple(_d.values())))

</pallas_src>

<mosaic_0001>
#map = affine_map<(d0, d1) -> (0, 0, 0)>
#map1 = affine_map<(d0, d1) -> (0, 0)>
module attributes {stable_mosaic.version = 14 : i64} {
  func.func @_deg_body(%arg0: i32, %arg1: i32, %arg2: memref<32x125x80xi32, #tpu.memory_space<hbm>>, %arg3: memref<1x80xi32, #tpu.memory_space<hbm>>, %arg4: memref<80x128xf32, #tpu.memory_space<hbm>>, %arg5: memref<2x80x128xf32, #tpu.memory_space<hbm>>, %arg6: memref<125x80xi32, #tpu.memory_space<vmem>>, %arg7: memref<1x80xi32, #tpu.memory_space<vmem>>, %arg8: memref<80x128xf32, #tpu.memory_space<vmem>>, %arg9: memref<80x128xf32, #tpu.memory_space<vmem_shared>>) attributes {dimension_semantics = [#tpu.dimension_semantics<core_parallel>, #tpu.dimension_semantics<subcore_parallel>], iteration_bounds = array<i64: 2, 16>, scalar_prefetch = 0 : i64, scratch_operands = 4 : i64, tpu.core_type = #tpu.core_type<sc_vector_subcore>, window_params = [{transform_indices = #map}, {transform_indices = #map1}, {transform_indices = #map1}, {transform_indices = #map}]} {
    %mul3A = arith.constant 16 : i32
    %mul3A_0 = arith.muli %arg0, %mul3A : i32
    %add3A = arith.addi %mul3A_0, %arg1 : i32
    "tpu.region"() ({
      %run_scoped3A_21 = tpu.sem_alloc : memref<!tpu.dma_semaphore, #tpu.memory_space<semaphore_mem>>
      %dma_start3A = arith.constant 0 : i32
      %dma_start3A_22 = arith.constant 0 : i32
      %dma_start3A_23 = tpu.memref_slice %arg2[%add3A, %dma_start3A, %dma_start3A_22] : memref<32x125x80xi32, #tpu.memory_space<hbm>> -> memref<1x125x80xi32, #tpu.memory_space<hbm>>
      %dma_start3A_24 = tpu.memref_squeeze %dma_start3A_23 : memref<1x125x80xi32, #tpu.memory_space<hbm>> -> memref<125x80xi32, #tpu.memory_space<hbm>>
      %dma_start3A_25 = arith.constant 0 : i32
      %dma_start3A_26 = arith.constant 0 : i32
      %dma_start3A_27 = tpu.memref_slice %arg2[%add3A, %dma_start3A_25, %dma_start3A_26] : memref<32x125x80xi32, #tpu.memory_space<hbm>> -> memref<1x125x80xi32, #tpu.memory_space<hbm>>
      %dma_start3A_28 = tpu.memref_squeeze %dma_start3A_27 : memref<1x125x80xi32, #tpu.memory_space<hbm>> -> memref<125x80xi32, #tpu.memory_space<hbm>>
      tpu.enqueue_dma source(%dma_start3A_28 : memref<125x80xi32, #tpu.memory_space<hbm>>) target(%arg6 : memref<125x80xi32, #tpu.memory_space<vmem>>) target_semaphore(%run_scoped3A_21 : memref<!tpu.dma_semaphore, #tpu.memory_space<semaphore_mem>>)
      %dma_wait3A = arith.constant 0 : i32
      %dma_wait3A_29 = arith.constant 0 : i32
      %dma_wait3A_30 = tpu.memref_slice %arg2[%add3A, %dma_wait3A, %dma_wait3A_29] : memref<32x125x80xi32, #tpu.memory_space<hbm>> -> memref<1x125x80xi32, #tpu.memory_space<hbm>>
      %dma_wait3A_31 = tpu.memref_squeeze %dma_wait3A_30 : memref<1x125x80xi32, #tpu.memory_space<hbm>> -> memref<125x80xi32, #tpu.memory_space<hbm>>
      %dma_wait3A_32 = arith.constant 0 : i32
      %dma_wait3A_33 = arith.constant 0 : i32
      %dma_wait3A_34 = tpu.memref_slice %arg2[%add3A, %dma_wait3A_32, %dma_wait3A_33] : memref<32x125x80xi32, #tpu.memory_space<hbm>> -> memref<1x125x80xi32, #tpu.memory_space<hbm>>
      %dma_wait3A_35 = tpu.memref_squeeze %dma_wait3A_34 : memref<1x125x80xi32, #tpu.memory_space<hbm>> -> memref<125x80xi32, #tpu.memory_space<hbm>>
      tpu.wait_dma2 semaphore(%run_scoped3A_21 : memref<!tpu.dma_semaphore, #tpu.memory_space<semaphore_mem>>) src(%dma_wait3A_35 : memref<125x80xi32, #tpu.memory_space<hbm>>) dst(%arg6 : memref<125x80xi32, #tpu.memory_space<vmem>>)
      tpu.yield
    }) : () -> ()
    "tpu.region"() ({
      %run_scoped3A_21 = tpu.sem_alloc : memref<!tpu.dma_semaphore, #tpu.memory_space<semaphore_mem>>
      tpu.enqueue_dma source(%arg3 : memref<1x80xi32, #tpu.memory_space<hbm>>) target(%arg7 : memref<1x80xi32, #tpu.memory_space<vmem>>) target_semaphore(%run_scoped3A_21 : memref<!tpu.dma_semaphore, #tpu.memory_space<semaphore_mem>>)
      tpu.wait_dma2 semaphore(%run_scoped3A_21 : memref<!tpu.dma_semaphore, #tpu.memory_space<semaphore_mem>>) src(%arg3 : memref<1x80xi32, #tpu.memory_space<hbm>>) dst(%arg7 : memref<1x80xi32, #tpu.memory_space<vmem>>)
      tpu.yield
    }) : () -> ()
    %eq3A = arith.constant 0 : i32
    %eq3A_1 = arith.cmpi eq, %arg1, %eq3A : i32
    %convert_element_type3A = arith.extui %eq3A_1 : i1 to i32
    %cond3A = arith.constant 0 : i32
    %cond3A_2 = arith.cmpi ne, %convert_element_type3A, %cond3A : i32
    scf.if %cond3A_2 {
      "tpu.region"() ({
        %run_scoped3A_21 = tpu.sem_alloc : memref<!tpu.dma_semaphore, #tpu.memory_space<semaphore_mem>>
        tpu.enqueue_dma source(%arg4 : memref<80x128xf32, #tpu.memory_space<hbm>>) target(%arg9 : memref<80x128xf32, #tpu.memory_space<vmem_shared>>) target_semaphore(%run_scoped3A_21 : memref<!tpu.dma_semaphore, #tpu.memory_space<semaphore_mem>>)
        tpu.wait_dma2 semaphore(%run_scoped3A_21 : memref<!tpu.dma_semaphore, #tpu.memory_space<semaphore_mem>>) src(%arg4 : memref<80x128xf32, #tpu.memory_space<hbm>>) dst(%arg9 : memref<80x128xf32, #tpu.memory_space<vmem_shared>>)
        tpu.yield
      }) : () -> ()
    } else {
    }
    %scan3A = arith.constant 0 : i32
    %scan3A_3 = arith.constant 0 : i32
    %scan3A_4 = arith.constant 80 : i32
    %scan3A_5 = arith.addi %scan3A_3, %scan3A_4 : i32
    %scan3A_6 = arith.constant 1 : i32
    scf.for %scan3A_21 = %scan3A_3 to %scan3A_5 step %scan3A_6  : i32 {
      %broadcast_in_dim3A_22 = arith.constant 0.000000e+00 : f32
      %broadcast_in_dim3A_23 = vector.broadcast %broadcast_in_dim3A_22 : f32 to vector<16xf32>
      %swap3A = arith.index_cast %scan3A_21 : i32 to index
      %swap3A_24 = arith.constant 0 : index
      %swap3A_25 = tpu.vector_load %arg8[%swap3A, %swap3A_24] {strides = array<i32>} : memref<80x128xf32, #tpu.memory_space<vmem>>, vector<16xf32>,
      tpu.vector_store %arg8[%swap3A, %swap3A_24], %broadcast_in_dim3A_23 {strides = array<i32>} : memref<80x128xf32, #tpu.memory_space<vmem>>, vector<16xf32>,
      %broadcast_in_dim3A_26 = arith.constant 0.000000e+00 : f32
      %broadcast_in_dim3A_27 = vector.broadcast %broadcast_in_dim3A_26 : f32 to vector<16xf32>
      %swap3A_28 = arith.index_cast %scan3A_21 : i32 to index
      %swap3A_29 = arith.constant 16 : index
      %swap3A_30 = tpu.vector_load %arg8[%swap3A_28, %swap3A_29] {strides = array<i32>} : memref<80x128xf32, #tpu.memory_space<vmem>>, vector<16xf32>,
      tpu.vector_store %arg8[%swap3A_28, %swap3A_29], %broadcast_in_dim3A_27 {strides = array<i32>} : memref<80x128xf32, #tpu.memory_space<vmem>>, vector<16xf32>,
      %broadcast_in_dim3A_31 = arith.constant 0.000000e+00 : f32
      %broadcast_in_dim3A_32 = vector.broadcast %broadcast_in_dim3A_31 : f32 to vector<16xf32>
      %swap3A_33 = arith.index_cast %scan3A_21 : i32 to index
      %swap3A_34 = arith.constant 32 : index
      %swap3A_35 = tpu.vector_load %arg8[%swap3A_33, %swap3A_34] {strides = array<i32>} : memref<80x128xf32, #tpu.memory_space<vmem>>, vector<16xf32>,
      tpu.vector_store %arg8[%swap3A_33, %swap3A_34], %broadcast_in_dim3A_32 {strides = array<i32>} : memref<80x128xf32, #tpu.memory_space<vmem>>, vector<16xf32>,
      %broadcast_in_dim3A_36 = arith.constant 0.000000e+00 : f32
      %broadcast_in_dim3A_37 = vector.broadcast %broadcast_in_dim3A_36 : f32 to vector<16xf32>
      %swap3A_38 = arith.index_cast %scan3A_21 : i32 to index
      %swap3A_39 = arith.constant 48 : index
      %swap3A_40 = tpu.vector_load %arg8[%swap3A_38, %swap3A_39] {strides = array<i32>} : memref<80x128xf32, #tpu.memory_space<vmem>>, vector<16xf32>,
      tpu.vector_store %arg8[%swap3A_38, %swap3A_39], %broadcast_in_dim3A_37 {strides = array<i32>} : memref<80x128xf32, #tpu.memory_space<vmem>>, vector<16xf32>,
      %broadcast_in_dim3A_41 = arith.constant 0.000000e+00 : f32
      %broadcast_in_dim3A_42 = vector.broadcast %broadcast_in_dim3A_41 : f32 to vector<16xf32>
      %swap3A_43 = arith.index_cast %scan3A_21 : i32 to index
      %swap3A_44 = arith.constant 64 : index
      %swap3A_45 = tpu.vector_load %arg8[%swap3A_43, %swap3A_44] {strides = array<i32>} : memref<80x128xf32, #tpu.memory_space<vmem>>, vector<16xf32>,
      tpu.vector_store %arg8[%swap3A_43, %swap3A_44], %broadcast_in_dim3A_42 {strides = array<i32>} : memref<80x128xf32, #tpu.memory_space<vmem>>, vector<16xf32>,
      %broadcast_in_dim3A_46 = arith.constant 0.000000e+00 : f32
      %broadcast_in_dim3A_47 = vector.broadcast %broadcast_in_dim3A_46 : f32 to vector<16xf32>
      %swap3A_48 = arith.index_cast %scan3A_21 : i32 to index
      %swap3A_49 = arith.constant 80 : index
      %swap3A_50 = tpu.vector_load %arg8[%swap3A_48, %swap3A_49] {strides = array<i32>} : memref<80x128xf32, #tpu.memory_space<vmem>>, vector<16xf32>,
      tpu.vector_store %arg8[%swap3A_48, %swap3A_49], %broadcast_in_dim3A_47 {strides = array<i32>} : memref<80x128xf32, #tpu.memory_space<vmem>>, vector<16xf32>,
      %broadcast_in_dim3A_51 = arith.constant 0.000000e+00 : f32
      %broadcast_in_dim3A_52 = vector.broadcast %broadcast_in_dim3A_51 : f32 to vector<16xf32>
      %swap3A_53 = arith.index_cast %scan3A_21 : i32 to index
      %swap3A_54 = arith.constant 96 : index
      %swap3A_55 = tpu.vector_load %arg8[%swap3A_53, %swap3A_54] {strides = array<i32>} : memref<80x128xf32, #tpu.memory_space<vmem>>, vector<16xf32>,
      tpu.vector_store %arg8[%swap3A_53, %swap3A_54], %broadcast_in_dim3A_52 {strides = array<i32>} : memref<80x128xf32, #tpu.memory_space<vmem>>, vector<16xf32>,
      %broadcast_in_dim3A_56 = arith.constant 0.000000e+00 : f32
      %broadcast_in_dim3A_57 = vector.broadcast %broadcast_in_dim3A_56 : f32 to vector<16xf32>
      %swap3A_58 = arith.index_cast %scan3A_21 : i32 to index
      %swap3A_59 = arith.constant 112 : index
      %swap3A_60 = tpu.vector_load %arg8[%swap3A_58, %swap3A_59] {strides = array<i32>} : memref<80x128xf32, #tpu.memory_space<vmem>>, vector<16xf32>,
      tpu.vector_store %arg8[%swap3A_58, %swap3A_59], %broadcast_in_dim3A_57 {strides = array<i32>} : memref<80x128xf32, #tpu.memory_space<vmem>>, vector<16xf32>,
    }
    %scan3A_7 = arith.constant 80 : i32
    %broadcast_in_dim3A = arith.constant 1.000000e+00 : f32
    %broadcast_in_dim3A_8 = vector.broadcast %broadcast_in_dim3A : f32 to vector<16xf32>
    %scan3A_9 = arith.constant 0 : i32
    %scan3A_10 = arith.constant 0 : i32
    %scan3A_11 = arith.constant 125 : i32
    %scan3A_12 = arith.addi %scan3A_10, %scan3A_11 : i32
    %scan3A_13 = arith.constant 1 : i32
    scf.for %scan3A_21 = %scan3A_10 to %scan3A_12 step %scan3A_13  : i32 {
      %get3A = arith.index_cast %scan3A_21 : i32 to index
      %get3A_22 = arith.constant 0 : index
      %get3A_23 = tpu.vector_load %arg6[%get3A, %get3A_22] {strides = array<i32>} : memref<125x80xi32, #tpu.memory_space<vmem>>, vector<16xi32>,
      %shift_right_logical3A = arith.constant 7 : i32
      %shift_right_logical3A_24 = vector.broadcast %shift_right_logical3A : i32 to vector<16xi32>
      %shift_right_logical3A_25 = arith.shrui %get3A_23, %shift_right_logical3A_24 : vector<16xi32>
      %and3A = arith.constant 127 : i32
      %and3A_26 = vector.broadcast %and3A : i32 to vector<16xi32>
      %and3A_27 = arith.andi %get3A_23, %and3A_26 : vector<16xi32>
      tpu.vector_store_idx %arg8[%shift_right_logical3A_25, %and3A_27], %broadcast_in_dim3A_8 {add = true} : memref<80x128xf32, #tpu.memory_space<vmem>>[vector<16xi32>, vector<16xi32>], vector<16xf32>,
      %get3A_28 = arith.index_cast %scan3A_21 : i32 to index
      %get3A_29 = arith.constant 16 : index
      %get3A_30 = tpu.vector_load %arg6[%get3A_28, %get3A_29] {strides = array<i32>} : memref<125x80xi32, #tpu.memory_space<vmem>>, vector<16xi32>,
      %shift_right_logical3A_31 = arith.constant 7 : i32
      %shift_right_logical3A_32 = vector.broadcast %shift_right_logical3A_31 : i32 to vector<16xi32>
      %shift_right_logical3A_33 = arith.shrui %get3A_30, %shift_right_logical3A_32 : vector<16xi32>
      %and3A_34 = arith.constant 127 : i32
      %and3A_35 = vector.broadcast %and3A_34 : i32 to vector<16xi32>
      %and3A_36 = arith.andi %get3A_30, %and3A_35 : vector<16xi32>
      tpu.vector_store_idx %arg8[%shift_right_logical3A_33, %and3A_36], %broadcast_in_dim3A_8 {add = true} : memref<80x128xf32, #tpu.memory_space<vmem>>[vector<16xi32>, vector<16xi32>], vector<16xf32>,
      %get3A_37 = arith.index_cast %scan3A_21 : i32 to index
      %get3A_38 = arith.constant 32 : index
      %get3A_39 = tpu.vector_load %arg6[%get3A_37, %get3A_38] {strides = array<i32>} : memref<125x80xi32, #tpu.memory_space<vmem>>, vector<16xi32>,
      %shift_right_logical3A_40 = arith.constant 7 : i32
      %shift_right_logical3A_41 = vector.broadcast %shift_right_logical3A_40 : i32 to vector<16xi32>
      %shift_right_logical3A_42 = arith.shrui %get3A_39, %shift_right_logical3A_41 : vector<16xi32>
      %and3A_43 = arith.constant 127 : i32
      %and3A_44 = vector.broadcast %and3A_43 : i32 to vector<16xi32>
      %and3A_45 = arith.andi %get3A_39, %and3A_44 : vector<16xi32>
      tpu.vector_store_idx %arg8[%shift_right_logical3A_42, %and3A_45], %broadcast_in_dim3A_8 {add = true} : memref<80x128xf32, #tpu.memory_space<vmem>>[vector<16xi32>, vector<16xi32>], vector<16xf32>,
      %get3A_46 = arith.index_cast %scan3A_21 : i32 to index
      %get3A_47 = arith.constant 48 : index
      %get3A_48 = tpu.vector_load %arg6[%get3A_46, %get3A_47] {strides = array<i32>} : memref<125x80xi32, #tpu.memory_space<vmem>>, vector<16xi32>,
      %shift_right_logical3A_49 = arith.constant 7 : i32
      %shift_right_logical3A_50 = vector.broadcast %shift_right_logical3A_49 : i32 to vector<16xi32>
      %shift_right_logical3A_51 = arith.shrui %get3A_48, %shift_right_logical3A_50 : vector<16xi32>
      %and3A_52 = arith.constant 127 : i32
      %and3A_53 = vector.broadcast %and3A_52 : i32 to vector<16xi32>
      %and3A_54 = arith.andi %get3A_48, %and3A_53 : vector<16xi32>
      tpu.vector_store_idx %arg8[%shift_right_logical3A_51, %and3A_54], %broadcast_in_dim3A_8 {add = true} : memref<80x128xf32, #tpu.memory_space<vmem>>[vector<16xi32>, vector<16xi32>], vector<16xf32>,
      %get3A_55 = arith.index_cast %scan3A_21 : i32 to index
      %get3A_56 = arith.constant 64 : index
      %get3A_57 = tpu.vector_load %arg6[%get3A_55, %get3A_56] {strides = array<i32>} : memref<125x80xi32, #tpu.memory_space<vmem>>, vector<16xi32>,
      %shift_right_logical3A_58 = arith.constant 7 : i32
      %shift_right_logical3A_59 = vector.broadcast %shift_right_logical3A_58 : i32 to vector<16xi32>
      %shift_right_logical3A_60 = arith.shrui %get3A_57, %shift_right_logical3A_59 : vector<16xi32>
      %and3A_61 = arith.constant 127 : i32
      %and3A_62 = vector.broadcast %and3A_61 : i32 to vector<16xi32>
      %and3A_63 = arith.andi %get3A_57, %and3A_62 : vector<16xi32>
      tpu.vector_store_idx %arg8[%shift_right_logical3A_60, %and3A_63], %broadcast_in_dim3A_8 {add = true} : memref<80x128xf32, #tpu.memory_space<vmem>>[vector<16xi32>, vector<16xi32>], vector<16xf32>,
    }
    %scan3A_14 = arith.constant 125 : i32
    %barrier3A = arith.constant 0 : index
    tpu.barrier barrier_id(%barrier3A)
    %run_scoped3A = arith.constant 0 : i32
    "tpu.region"() ({
      %run_scoped3A_21 = tpu.sem_alloc : memref<!tpu.dma_semaphore, #tpu.memory_space<semaphore_mem>>
      %dma_start3A = arith.constant 0 : i32
      %dma_start3A_22 = tpu.memref_slice %arg7[%run_scoped3A, %dma_start3A] : memref<1x80xi32, #tpu.memory_space<vmem>> -> memref<1x80xi32, #tpu.memory_space<vmem>>
      %dma_start3A_23 = tpu.memref_squeeze %dma_start3A_22 : memref<1x80xi32, #tpu.memory_space<vmem>> -> memref<80xi32, #tpu.memory_space<vmem>>
      %dma_start3A_24 = arith.constant 0 : i32
      %dma_start3A_25 = arith.constant 0 : i32
      %dma_start3A_26 = tpu.memref_slice %arg9[%dma_start3A_24, %dma_start3A_25] : memref<80x128xf32, #tpu.memory_space<vmem_shared>> -> memref<80x128xf32, #tpu.memory_space<vmem_shared>>
      tpu.enqueue_indirect_dma source(%arg8 : memref<80x128xf32, #tpu.memory_space<vmem>>) target(%dma_start3A_26 : memref<80x128xf32, #tpu.memory_space<vmem_shared>>) offsets(%dma_start3A_23 : memref<80xi32, #tpu.memory_space<vmem>>) semaphore(%run_scoped3A_21 : memref<!tpu.dma_semaphore, #tpu.memory_space<semaphore_mem>>) {add = true}
      %dma_wait3A = arith.constant 0 : i32
      %dma_wait3A_27 = tpu.memref_slice %arg7[%run_scoped3A, %dma_wait3A] : memref<1x80xi32, #tpu.memory_space<vmem>> -> memref<1x80xi32, #tpu.memory_space<vmem>>
      %dma_wait3A_28 = tpu.memref_squeeze %dma_wait3A_27 : memref<1x80xi32, #tpu.memory_space<vmem>> -> memref<80xi32, #tpu.memory_space<vmem>>
      %dma_wait3A_29 = arith.constant 0 : i32
      %dma_wait3A_30 = arith.constant 0 : i32
      %dma_wait3A_31 = tpu.memref_slice %arg9[%dma_wait3A_29, %dma_wait3A_30] : memref<80x128xf32, #tpu.memory_space<vmem_shared>> -> memref<80x128xf32, #tpu.memory_space<vmem_shared>>
      tpu.wait_indirect_dma semaphore(%run_scoped3A_21 : memref<!tpu.dma_semaphore, #tpu.memory_space<semaphore_mem>>) src(%arg8 : memref<80x128xf32, #tpu.memory_space<vmem>>) dst(%dma_wait3A_31 : memref<80x128xf32, #tpu.memory_space<vmem_shared>>)
      tpu.yield
    }) : () -> ()
    %barrier3A_15 = arith.constant 0 : index
    tpu.barrier barrier_id(%barrier3A_15)
    %eq3A_16 = arith.constant 0 : i32
    %eq3A_17 = arith.cmpi eq, %arg1, %eq3A_16 : i32
    %convert_element_type3A_18 = arith.extui %eq3A_17 : i1 to i32
    %cond3A_19 = arith.constant 0 : i32
    %cond3A_20 = arith.cmpi ne, %convert_element_type3A_18, %cond3A_19 : i32
    scf.if %cond3A_20 {
      "tpu.region"() ({
        %run_scoped3A_21 = tpu.sem_alloc : memref<!tpu.dma_semaphore, #tpu.memory_space<semaphore_mem>>
        %dma_start3A = arith.constant 0 : i32
        %dma_start3A_22 = arith.constant 0 : i32
        %dma_start3A_23 = tpu.memref_slice %arg5[%arg0, %dma_start3A, %dma_start3A_22] : memref<2x80x128xf32, #tpu.memory_space<hbm>> -> memref<1x80x128xf32, #tpu.memory_space<hbm>>
        %dma_start3A_24 = tpu.memref_squeeze %dma_start3A_23 : memref<1x80x128xf32, #tpu.memory_space<hbm>> -> memref<80x128xf32, #tpu.memory_space<hbm>>
        tpu.enqueue_dma source(%arg9 : memref<80x128xf32, #tpu.memory_space<vmem_shared>>) target(%dma_start3A_24 : memref<80x128xf32, #tpu.memory_space<hbm>>) target_semaphore(%run_scoped3A_21 : memref<!tpu.dma_semaphore, #tpu.memory_space<semaphore_mem>>)
        %dma_wait3A = arith.constant 0 : i32
        %dma_wait3A_25 = arith.constant 0 : i32
        %dma_wait3A_26 = tpu.memref_slice %arg5[%arg0, %dma_wait3A, %dma_wait3A_25] : memref<2x80x128xf32, #tpu.memory_space<hbm>> -> memref<1x80x128xf32, #tpu.memory_space<hbm>>
        %dma_wait3A_27 = tpu.memref_squeeze %dma_wait3A_26 : memref<1x80x128xf32, #tpu.memory_space<hbm>> -> memref<80x128xf32, #tpu.memory_space<hbm>>
        tpu.wait_dma2 semaphore(%run_scoped3A_21 : memref<!tpu.dma_semaphore, #tpu.memory_space<semaphore_mem>>) src(%arg9 : memref<80x128xf32, #tpu.memory_space<vmem_shared>>) dst(%dma_wait3A_27 : memref<80x128xf32, #tpu.memory_space<hbm>>)
        tpu.yield
      }) : () -> ()
    } else {
    }
    return
  }
}

#map = affine_map<(d0, d1) -> (0, 0)>
#map1 = affine_map<(d0, d1) -> (0, 0, 0)>
module attributes {stable_mosaic.version = 14 : i64} {
  func.func @_agg_body(%arg0: i32, %arg1: i32, %arg2: memref<10000x128xf32, #tpu.memory_space<hbm>>, %arg3: memref<16x250x80xi32, #tpu.memory_space<hbm>>, %arg4: memref<16x250x80xi32, #tpu.memory_space<hbm>>, %arg5: memref<328x128xf32, #tpu.memory_space<hbm>>, %arg6: memref<2x5120x128xf32, #tpu.memory_space<hbm>>, %arg7: memref<250x80xi32, #tpu.memory_space<vmem>>, %arg8: memref<250x80xi32, #tpu.memory_space<vmem>>, %arg9: memref<80x128xf32, #tpu.memory_space<vmem>>, %arg10: memref<80x128xf32, #tpu.memory_space<vmem>>, %arg11: memref<!tpu.dma_semaphore, #tpu.memory_space<semaphore_mem>>, %arg12: memref<!tpu.dma_semaphore, #tpu.memory_space<semaphore_mem>>, %arg13: memref<5248x128xf32, #tpu.memory_space<vmem_shared>>) attributes {dimension_semantics = [#tpu.dimension_semantics<core_parallel>, #tpu.dimension_semantics<subcore_parallel>], iteration_bounds = array<i64: 2, 16>, scalar_prefetch = 0 : i64, scratch_operands = 7 : i64, tpu.core_type = #tpu.core_type<sc_vector_subcore>, window_params = [{transform_indices = #map}, {transform_indices = #map1}, {transform_indices = #map1}, {transform_indices = #map}, {transform_indices = #map1}]} {
    %mul3A = arith.constant 328 : i32
    %mul3A_0 = arith.muli %arg1, %mul3A : i32
    "tpu.region"() ({
      %run_scoped3A = tpu.sem_alloc : memref<!tpu.dma_semaphore, #tpu.memory_space<semaphore_mem>>
      %dma_start3A_25 = arith.constant 0 : i32
      %dma_start3A_26 = tpu.memref_slice %arg13[%mul3A_0, %dma_start3A_25] : memref<5248x128xf32, #tpu.memory_space<vmem_shared>> -> memref<328x128xf32, #tpu.memory_space<vmem_shared>>
      tpu.enqueue_dma source(%arg5 : memref<328x128xf32, #tpu.memory_space<hbm>>) target(%dma_start3A_26 : memref<328x128xf32, #tpu.memory_space<vmem_shared>>) target_semaphore(%run_scoped3A : memref<!tpu.dma_semaphore, #tpu.memory_space<semaphore_mem>>)
      %dma_wait3A = arith.constant 0 : i32
      %dma_wait3A_27 = tpu.memref_slice %arg13[%mul3A_0, %dma_wait3A] : memref<5248x128xf32, #tpu.memory_space<vmem_shared>> -> memref<328x128xf32, #tpu.memory_space<vmem_shared>>
      tpu.wait_dma2 semaphore(%run_scoped3A : memref<!tpu.dma_semaphore, #tpu.memory_space<semaphore_mem>>) src(%arg5 : memref<328x128xf32, #tpu.memory_space<hbm>>) dst(%dma_wait3A_27 : memref<328x128xf32, #tpu.memory_space<vmem_shared>>)
      tpu.yield
    }) : () -> ()
    "tpu.region"() ({
      %run_scoped3A = tpu.sem_alloc : memref<!tpu.dma_semaphore, #tpu.memory_space<semaphore_mem>>
      %dma_start3A_25 = arith.constant 0 : i32
      %dma_start3A_26 = arith.constant 0 : i32
      %dma_start3A_27 = tpu.memref_slice %arg3[%arg1, %dma_start3A_25, %dma_start3A_26] : memref<16x250x80xi32, #tpu.memory_space<hbm>> -> memref<1x250x80xi32, #tpu.memory_space<hbm>>
      %dma_start3A_28 = tpu.memref_squeeze %dma_start3A_27 : memref<1x250x80xi32, #tpu.memory_space<hbm>> -> memref<250x80xi32, #tpu.memory_space<hbm>>
      %dma_start3A_29 = arith.constant 0 : i32
      %dma_start3A_30 = arith.constant 0 : i32
      %dma_start3A_31 = tpu.memref_slice %arg3[%arg1, %dma_start3A_29, %dma_start3A_30] : memref<16x250x80xi32, #tpu.memory_space<hbm>> -> memref<1x250x80xi32, #tpu.memory_space<hbm>>
      %dma_start3A_32 = tpu.memref_squeeze %dma_start3A_31 : memref<1x250x80xi32, #tpu.memory_space<hbm>> -> memref<250x80xi32, #tpu.memory_space<hbm>>
      tpu.enqueue_dma source(%dma_start3A_32 : memref<250x80xi32, #tpu.memory_space<hbm>>) target(%arg7 : memref<250x80xi32, #tpu.memory_space<vmem>>) target_semaphore(%run_scoped3A : memref<!tpu.dma_semaphore, #tpu.memory_space<semaphore_mem>>)
      %dma_wait3A = arith.constant 0 : i32
      %dma_wait3A_33 = arith.constant 0 : i32
      %dma_wait3A_34 = tpu.memref_slice %arg3[%arg1, %dma_wait3A, %dma_wait3A_33] : memref<16x250x80xi32, #tpu.memory_space<hbm>> -> memref<1x250x80xi32, #tpu.memory_space<hbm>>
      %dma_wait3A_35 = tpu.memref_squeeze %dma_wait3A_34 : memref<1x250x80xi32, #tpu.memory_space<hbm>> -> memref<250x80xi32, #tpu.memory_space<hbm>>
      %dma_wait3A_36 = arith.constant 0 : i32
      %dma_wait3A_37 = arith.constant 0 : i32
      %dma_wait3A_38 = tpu.memref_slice %arg3[%arg1, %dma_wait3A_36, %dma_wait3A_37] : memref<16x250x80xi32, #tpu.memory_space<hbm>> -> memref<1x250x80xi32, #tpu.memory_space<hbm>>
      %dma_wait3A_39 = tpu.memref_squeeze %dma_wait3A_38 : memref<1x250x80xi32, #tpu.memory_space<hbm>> -> memref<250x80xi32, #tpu.memory_space<hbm>>
      tpu.wait_dma2 semaphore(%run_scoped3A : memref<!tpu.dma_semaphore, #tpu.memory_space<semaphore_mem>>) src(%dma_wait3A_39 : memref<250x80xi32, #tpu.memory_space<hbm>>) dst(%arg7 : memref<250x80xi32, #tpu.memory_space<vmem>>)
      tpu.yield
    }) : () -> ()
    "tpu.region"() ({
      %run_scoped3A = tpu.sem_alloc : memref<!tpu.dma_semaphore, #tpu.memory_space<semaphore_mem>>
      %dma_start3A_25 = arith.constant 0 : i32
      %dma_start3A_26 = arith.constant 0 : i32
      %dma_start3A_27 = tpu.memref_slice %arg4[%arg1, %dma_start3A_25, %dma_start3A_26] : memref<16x250x80xi32, #tpu.memory_space<hbm>> -> memref<1x250x80xi32, #tpu.memory_space<hbm>>
      %dma_start3A_28 = tpu.memref_squeeze %dma_start3A_27 : memref<1x250x80xi32, #tpu.memory_space<hbm>> -> memref<250x80xi32, #tpu.memory_space<hbm>>
      %dma_start3A_29 = arith.constant 0 : i32
      %dma_start3A_30 = arith.constant 0 : i32
      %dma_start3A_31 = tpu.memref_slice %arg4[%arg1, %dma_start3A_29, %dma_start3A_30] : memref<16x250x80xi32, #tpu.memory_space<hbm>> -> memref<1x250x80xi32, #tpu.memory_space<hbm>>
      %dma_start3A_32 = tpu.memref_squeeze %dma_start3A_31 : memref<1x250x80xi32, #tpu.memory_space<hbm>> -> memref<250x80xi32, #tpu.memory_space<hbm>>
      tpu.enqueue_dma source(%dma_start3A_32 : memref<250x80xi32, #tpu.memory_space<hbm>>) target(%arg8 : memref<250x80xi32, #tpu.memory_space<vmem>>) target_semaphore(%run_scoped3A : memref<!tpu.dma_semaphore, #tpu.memory_space<semaphore_mem>>)
      %dma_wait3A = arith.constant 0 : i32
      %dma_wait3A_33 = arith.constant 0 : i32
      %dma_wait3A_34 = tpu.memref_slice %arg4[%arg1, %dma_wait3A, %dma_wait3A_33] : memref<16x250x80xi32, #tpu.memory_space<hbm>> -> memref<1x250x80xi32, #tpu.memory_space<hbm>>
      %dma_wait3A_35 = tpu.memref_squeeze %dma_wait3A_34 : memref<1x250x80xi32, #tpu.memory_space<hbm>> -> memref<250x80xi32, #tpu.memory_space<hbm>>
      %dma_wait3A_36 = arith.constant 0 : i32
      %dma_wait3A_37 = arith.constant 0 : i32
      %dma_wait3A_38 = tpu.memref_slice %arg4[%arg1, %dma_wait3A_36, %dma_wait3A_37] : memref<16x250x80xi32, #tpu.memory_space<hbm>> -> memref<1x250x80xi32, #tpu.memory_space<hbm>>
      %dma_wait3A_39 = tpu.memref_squeeze %dma_wait3A_38 : memref<1x250x80xi32, #tpu.memory_space<hbm>> -> memref<250x80xi32, #tpu.memory_space<hbm>>
      tpu.wait_dma2 semaphore(%run_scoped3A : memref<!tpu.dma_semaphore, #tpu.memory_space<semaphore_mem>>) src(%dma_wait3A_39 : memref<250x80xi32, #tpu.memory_space<hbm>>) dst(%arg8 : memref<250x80xi32, #tpu.memory_space<vmem>>)
      tpu.yield
    }) : () -> ()
    %mul3A_1 = arith.constant 5120 : i32
    %mul3A_2 = arith.muli %arg0, %mul3A_1 : i32
    %scan3A = arith.constant 0 : i32
    %scan3A_3 = arith.constant 0 : i32
    %scan3A_4 = arith.constant 250 : i32
    %scan3A_5 = arith.addi %scan3A_3, %scan3A_4 : i32
    %scan3A_6 = arith.constant 1 : i32
    scf.for %scan3A_25 = %scan3A_3 to %scan3A_5 step %scan3A_6  : i32 {
      %get3A = arith.index_cast %scan3A_25 : i32 to index
      %get3A_26 = arith.constant 0 : index
      %get3A_27 = tpu.vector_load %arg8[%get3A, %get3A_26] {strides = array<i32>} : memref<250x80xi32, #tpu.memory_space<vmem>>, vector<1x16xi32>,
      %get3A_28 = vector.shape_cast %get3A_27 : vector<1x16xi32> to vector<16xi32>
      %sub3A = vector.broadcast %mul3A_2 : i32 to vector<16xi32>
      %sub3A_29 = arith.subi %get3A_28, %sub3A : vector<16xi32>
      %ge3A = arith.constant 0 : i32
      %ge3A_30 = vector.broadcast %ge3A : i32 to vector<16xi32>
      %ge3A_31 = arith.cmpi sge, %sub3A_29, %ge3A_30 : vector<16xi32>
      %lt3A = arith.constant 5120 : i32
      %lt3A_32 = vector.broadcast %lt3A : i32 to vector<16xi32>
      %lt3A_33 = arith.cmpi slt, %sub3A_29, %lt3A_32 : vector<16xi32>
      %and3A = arith.andi %ge3A_31, %lt3A_33 : vector<16xi1>
      %jit3A = arith.constant 5120 : i32
      %broadcast_in_dim3A = vector.broadcast %jit3A : i32 to vector<16xi32>
      %select_n3A = arith.select %and3A, %sub3A_29, %broadcast_in_dim3A : vector<16xi1>, vector<16xi32>
      %swap3A = arith.index_cast %scan3A_25 : i32 to index
      %swap3A_34 = arith.constant 0 : index
      %swap3A_35 = tpu.vector_load %arg8[%swap3A, %swap3A_34] {strides = array<i32>} : memref<250x80xi32, #tpu.memory_space<vmem>>, vector<1x16xi32>,
      %swap3A_36 = vector.shape_cast %swap3A_35 : vector<1x16xi32> to vector<16xi32>
      %swap3A_37 = vector.shape_cast %select_n3A : vector<16xi32> to vector<1x16xi32>
      tpu.vector_store %arg8[%swap3A, %swap3A_34], %swap3A_37 {strides = array<i32>} : memref<250x80xi32, #tpu.memory_space<vmem>>, vector<1x16xi32>,
      %get3A_38 = arith.index_cast %scan3A_25 : i32 to index
      %get3A_39 = arith.constant 16 : index
      %get3A_40 = tpu.vector_load %arg8[%get3A_38, %get3A_39] {strides = array<i32>} : memref<250x80xi32, #tpu.memory_space<vmem>>, vector<1x16xi32>,
      %get3A_41 = vector.shape_cast %get3A_40 : vector<1x16xi32> to vector<16xi32>
      %sub3A_42 = vector.broadcast %mul3A_2 : i32 to vector<16xi32>
      %sub3A_43 = arith.subi %get3A_41, %sub3A_42 : vector<16xi32>
      %ge3A_44 = arith.constant 0 : i32
      %ge3A_45 = vector.broadcast %ge3A_44 : i32 to vector<16xi32>
      %ge3A_46 = arith.cmpi sge, %sub3A_43, %ge3A_45 : vector<16xi32>
      %lt3A_47 = arith.constant 5120 : i32
      %lt3A_48 = vector.broadcast %lt3A_47 : i32 to vector<16xi32>
      %lt3A_49 = arith.cmpi slt, %sub3A_43, %lt3A_48 : vector<16xi32>
      %and3A_50 = arith.andi %ge3A_46, %lt3A_49 : vector<16xi1>
      %jit3A_51 = arith.constant 5120 : i32
      %broadcast_in_dim3A_52 = vector.broadcast %jit3A_51 : i32 to vector<16xi32>
      %select_n3A_53 = arith.select %and3A_50, %sub3A_43, %broadcast_in_dim3A_52 : vector<16xi1>, vector<16xi32>
      %swap3A_54 = arith.index_cast %scan3A_25 : i32 to index
      %swap3A_55 = arith.constant 16 : index
      %swap3A_56 = tpu.vector_load %arg8[%swap3A_54, %swap3A_55] {strides = array<i32>} : memref<250x80xi32, #tpu.memory_space<vmem>>, vector<1x16xi32>,
      %swap3A_57 = vector.shape_cast %swap3A_56 : vector<1x16xi32> to vector<16xi32>
      %swap3A_58 = vector.shape_cast %select_n3A_53 : vector<16xi32> to vector<1x16xi32>
      tpu.vector_store %arg8[%swap3A_54, %swap3A_55], %swap3A_58 {strides = array<i32>} : memref<250x80xi32, #tpu.memory_space<vmem>>, vector<1x16xi32>,
      %get3A_59 = arith.index_cast %scan3A_25 : i32 to index
      %get3A_60 = arith.constant 32 : index
      %get3A_61 = tpu.vector_load %arg8[%get3A_59, %get3A_60] {strides = array<i32>} : memref<250x80xi32, #tpu.memory_space<vmem>>, vector<1x16xi32>,
      %get3A_62 = vector.shape_cast %get3A_61 : vector<1x16xi32> to vector<16xi32>
      %sub3A_63 = vector.broadcast %mul3A_2 : i32 to vector<16xi32>
      %sub3A_64 = arith.subi %get3A_62, %sub3A_63 : vector<16xi32>
      %ge3A_65 = arith.constant 0 : i32
      %ge3A_66 = vector.broadcast %ge3A_65 : i32 to vector<16xi32>
      %ge3A_67 = arith.cmpi sge, %sub3A_64, %ge3A_66 : vector<16xi32>
      %lt3A_68 = arith.constant 5120 : i32
      %lt3A_69 = vector.broadcast %lt3A_68 : i32 to vector<16xi32>
      %lt3A_70 = arith.cmpi slt, %sub3A_64, %lt3A_69 : vector<16xi32>
      %and3A_71 = arith.andi %ge3A_67, %lt3A_70 : vector<16xi1>
      %jit3A_72 = arith.constant 5120 : i32
      %broadcast_in_dim3A_73 = vector.broadcast %jit3A_72 : i32 to vector<16xi32>
      %select_n3A_74 = arith.select %and3A_71, %sub3A_64, %broadcast_in_dim3A_73 : vector<16xi1>, vector<16xi32>
      %swap3A_75 = arith.index_cast %scan3A_25 : i32 to index
      %swap3A_76 = arith.constant 32 : index
      %swap3A_77 = tpu.vector_load %arg8[%swap3A_75, %swap3A_76] {strides = array<i32>} : memref<250x80xi32, #tpu.memory_space<vmem>>, vector<1x16xi32>,
      %swap3A_78 = vector.shape_cast %swap3A_77 : vector<1x16xi32> to vector<16xi32>
      %swap3A_79 = vector.shape_cast %select_n3A_74 : vector<16xi32> to vector<1x16xi32>
      tpu.vector_store %arg8[%swap3A_75, %swap3A_76], %swap3A_79 {strides = array<i32>} : memref<250x80xi32, #tpu.memory_space<vmem>>, vector<1x16xi32>,
      %get3A_80 = arith.index_cast %scan3A_25 : i32 to index
      %get3A_81 = arith.constant 48 : index
      %get3A_82 = tpu.vector_load %arg8[%get3A_80, %get3A_81] {strides = array<i32>} : memref<250x80xi32, #tpu.memory_space<vmem>>, vector<1x16xi32>,
      %get3A_83 = vector.shape_cast %get3A_82 : vector<1x16xi32> to vector<16xi32>
      %sub3A_84 = vector.broadcast %mul3A_2 : i32 to vector<16xi32>
      %sub3A_85 = arith.subi %get3A_83, %sub3A_84 : vector<16xi32>
      %ge3A_86 = arith.constant 0 : i32
      %ge3A_87 = vector.broadcast %ge3A_86 : i32 to vector<16xi32>
      %ge3A_88 = arith.cmpi sge, %sub3A_85, %ge3A_87 : vector<16xi32>
      %lt3A_89 = arith.constant 5120 : i32
      %lt3A_90 = vector.broadcast %lt3A_89 : i32 to vector<16xi32>
      %lt3A_91 = arith.cmpi slt, %sub3A_85, %lt3A_90 : vector<16xi32>
      %and3A_92 = arith.andi %ge3A_88, %lt3A_91 : vector<16xi1>
      %jit3A_93 = arith.constant 5120 : i32
      %broadcast_in_dim3A_94 = vector.broadcast %jit3A_93 : i32 to vector<16xi32>
      %select_n3A_95 = arith.select %and3A_92, %sub3A_85, %broadcast_in_dim3A_94 : vector<16xi1>, vector<16xi32>
      %swap3A_96 = arith.index_cast %scan3A_25 : i32 to index
      %swap3A_97 = arith.constant 48 : index
      %swap3A_98 = tpu.vector_load %arg8[%swap3A_96, %swap3A_97] {strides = array<i32>} : memref<250x80xi32, #tpu.memory_space<vmem>>, vector<1x16xi32>,
      %swap3A_99 = vector.shape_cast %swap3A_98 : vector<1x16xi32> to vector<16xi32>
      %swap3A_100 = vector.shape_cast %select_n3A_95 : vector<16xi32> to vector<1x16xi32>
      tpu.vector_store %arg8[%swap3A_96, %swap3A_97], %swap3A_100 {strides = array<i32>} : memref<250x80xi32, #tpu.memory_space<vmem>>, vector<1x16xi32>,
      %get3A_101 = arith.index_cast %scan3A_25 : i32 to index
      %get3A_102 = arith.constant 64 : index
      %get3A_103 = tpu.vector_load %arg8[%get3A_101, %get3A_102] {strides = array<i32>} : memref<250x80xi32, #tpu.memory_space<vmem>>, vector<1x16xi32>,
      %get3A_104 = vector.shape_cast %get3A_103 : vector<1x16xi32> to vector<16xi32>
      %sub3A_105 = vector.broadcast %mul3A_2 : i32 to vector<16xi32>
      %sub3A_106 = arith.subi %get3A_104, %sub3A_105 : vector<16xi32>
      %ge3A_107 = arith.constant 0 : i32
      %ge3A_108 = vector.broadcast %ge3A_107 : i32 to vector<16xi32>
      %ge3A_109 = arith.cmpi sge, %sub3A_106, %ge3A_108 : vector<16xi32>
      %lt3A_110 = arith.constant 5120 : i32
      %lt3A_111 = vector.broadcast %lt3A_110 : i32 to vector<16xi32>
      %lt3A_112 = arith.cmpi slt, %sub3A_106, %lt3A_111 : vector<16xi32>
      %and3A_113 = arith.andi %ge3A_109, %lt3A_112 : vector<16xi1>
      %jit3A_114 = arith.constant 5120 : i32
      %broadcast_in_dim3A_115 = vector.broadcast %jit3A_114 : i32 to vector<16xi32>
      %select_n3A_116 = arith.select %and3A_113, %sub3A_106, %broadcast_in_dim3A_115 : vector<16xi1>, vector<16xi32>
      %swap3A_117 = arith.index_cast %scan3A_25 : i32 to index
      %swap3A_118 = arith.constant 64 : index
      %swap3A_119 = tpu.vector_load %arg8[%swap3A_117, %swap3A_118] {strides = array<i32>} : memref<250x80xi32, #tpu.memory_space<vmem>>, vector<1x16xi32>,
      %swap3A_120 = vector.shape_cast %swap3A_119 : vector<1x16xi32> to vector<16xi32>
      %swap3A_121 = vector.shape_cast %select_n3A_116 : vector<16xi32> to vector<1x16xi32>
      tpu.vector_store %arg8[%swap3A_117, %swap3A_118], %swap3A_121 {strides = array<i32>} : memref<250x80xi32, #tpu.memory_space<vmem>>, vector<1x16xi32>,
    }
    %scan3A_7 = arith.constant 250 : i32
    %barrier3A = arith.constant 0 : index
    tpu.barrier barrier_id(%barrier3A)
    %dma_start3A = arith.constant 0 : i32
    %dma_start3A_8 = arith.constant 0 : i32
    %dma_start3A_9 = tpu.memref_slice %arg7[%dma_start3A, %dma_start3A_8] : memref<250x80xi32, #tpu.memory_space<vmem>> -> memref<1x80xi32, #tpu.memory_space<vmem>>
    %dma_start3A_10 = tpu.memref_squeeze %dma_start3A_9 : memref<1x80xi32, #tpu.memory_space<vmem>> -> memref<80xi32, #tpu.memory_space<vmem>>
    %dma_start3A_11 = arith.constant 0 : i32
    %dma_start3A_12 = arith.constant 0 : i32
    %dma_start3A_13 = tpu.memref_slice %arg2[%dma_start3A_11, %dma_start3A_12] : memref<10000x128xf32, #tpu.memory_space<hbm>> -> memref<10000x128xf32, #tpu.memory_space<hbm>>
    tpu.enqueue_indirect_dma source(%dma_start3A_13 : memref<10000x128xf32, #tpu.memory_space<hbm>>) target(%arg9 : memref<80x128xf32, #tpu.memory_space<vmem>>) offsets(%dma_start3A_10 : memref<80xi32, #tpu.memory_space<vmem>>) semaphore(%arg11 : memref<!tpu.dma_semaphore, #tpu.memory_space<semaphore_mem>>)
    %scan3A_14 = arith.constant 0 : i32
    %scan3A_15 = arith.constant 0 : i32
    %scan3A_16 = arith.constant 125 : i32
    %scan3A_17 = arith.addi %scan3A_15, %scan3A_16 : i32
    %scan3A_18 = arith.constant 1 : i32
    scf.for %scan3A_25 = %scan3A_15 to %scan3A_17 step %scan3A_18  : i32 {
      %mul3A_26 = arith.constant 2 : i32
      %mul3A_27 = arith.muli %mul3A_26, %scan3A_25 : i32
      %add3A = arith.constant 1 : i32
      %add3A_28 = arith.addi %mul3A_27, %add3A : i32
      %dma_start3A_29 = arith.constant 0 : i32
      %dma_start3A_30 = tpu.memref_slice %arg7[%add3A_28, %dma_start3A_29] : memref<250x80xi32, #tpu.memory_space<vmem>> -> memref<1x80xi32, #tpu.memory_space<vmem>>
      %dma_start3A_31 = tpu.memref_squeeze %dma_start3A_30 : memref<1x80xi32, #tpu.memory_space<vmem>> -> memref<80xi32, #tpu.memory_space<vmem>>
      %dma_start3A_32 = arith.constant 0 : i32
      %dma_start3A_33 = arith.constant 0 : i32
      %dma_start3A_34 = tpu.memref_slice %arg2[%dma_start3A_32, %dma_start3A_33] : memref<10000x128xf32, #tpu.memory_space<hbm>> -> memref<10000x128xf32, #tpu.memory_space<hbm>>
      tpu.enqueue_indirect_dma source(%dma_start3A_34 : memref<10000x128xf32, #tpu.memory_space<hbm>>) target(%arg10 : memref<80x128xf32, #tpu.memory_space<vmem>>) offsets(%dma_start3A_31 : memref<80xi32, #tpu.memory_space<vmem>>) semaphore(%arg12 : memref<!tpu.dma_semaphore, #tpu.memory_space<semaphore_mem>>)
      %dma_wait3A = arith.constant 0 : i32
      %dma_wait3A_35 = tpu.memref_slice %arg7[%mul3A_27, %dma_wait3A] : memref<250x80xi32, #tpu.memory_space<vmem>> -> memref<1x80xi32, #tpu.memory_space<vmem>>
      %dma_wait3A_36 = tpu.memref_squeeze %dma_wait3A_35 : memref<1x80xi32, #tpu.memory_space<vmem>> -> memref<80xi32, #tpu.memory_space<vmem>>
      %dma_wait3A_37 = arith.constant 0 : i32
      %dma_wait3A_38 = arith.constant 0 : i32
      %dma_wait3A_39 = tpu.memref_slice %arg2[%dma_wait3A_37, %dma_wait3A_38] : memref<10000x128xf32, #tpu.memory_space<hbm>> -> memref<10000x128xf32, #tpu.memory_space<hbm>>
      tpu.wait_indirect_dma semaphore(%arg11 : memref<!tpu.dma_semaphore, #tpu.memory_space<semaphore_mem>>) src(%dma_wait3A_39 : memref<10000x128xf32, #tpu.memory_space<hbm>>) dst(%arg9 : memref<80x128xf32, #tpu.memory_space<vmem>>)
      "tpu.region"() ({
        %run_scoped3A = tpu.sem_alloc : memref<!tpu.dma_semaphore, #tpu.memory_space<semaphore_mem>>
        %dma_start3A_52 = arith.constant 0 : i32
        %dma_start3A_53 = tpu.memref_slice %arg8[%mul3A_27, %dma_start3A_52] : memref<250x80xi32, #tpu.memory_space<vmem>> -> memref<1x80xi32, #tpu.memory_space<vmem>>
        %dma_start3A_54 = tpu.memref_squeeze %dma_start3A_53 : memref<1x80xi32, #tpu.memory_space<vmem>> -> memref<80xi32, #tpu.memory_space<vmem>>
        %dma_start3A_55 = arith.constant 0 : i32
        %dma_start3A_56 = arith.constant 0 : i32
        %dma_start3A_57 = tpu.memref_slice %arg13[%dma_start3A_55, %dma_start3A_56] : memref<5248x128xf32, #tpu.memory_space<vmem_shared>> -> memref<5248x128xf32, #tpu.memory_space<vmem_shared>>
        tpu.enqueue_indirect_dma source(%arg9 : memref<80x128xf32, #tpu.memory_space<vmem>>) target(%dma_start3A_57 : memref<5248x128xf32, #tpu.memory_space<vmem_shared>>) offsets(%dma_start3A_54 : memref<80xi32, #tpu.memory_space<vmem>>) semaphore(%run_scoped3A : memref<!tpu.dma_semaphore, #tpu.memory_space<semaphore_mem>>) {add = true}
        %dma_wait3A_58 = arith.constant 0 : i32
        %dma_wait3A_59 = tpu.memref_slice %arg8[%mul3A_27, %dma_wait3A_58] : memref<250x80xi32, #tpu.memory_space<vmem>> -> memref<1x80xi32, #tpu.memory_space<vmem>>
        %dma_wait3A_60 = tpu.memref_squeeze %dma_wait3A_59 : memref<1x80xi32, #tpu.memory_space<vmem>> -> memref<80xi32, #tpu.memory_space<vmem>>
        %dma_wait3A_61 = arith.constant 0 : i32
        %dma_wait3A_62 = arith.constant 0 : i32
        %dma_wait3A_63 = tpu.memref_slice %arg13[%dma_wait3A_61, %dma_wait3A_62] : memref<5248x128xf32, #tpu.memory_space<vmem_shared>> -> memref<5248x128xf32, #tpu.memory_space<vmem_shared>>
        tpu.wait_indirect_dma semaphore(%run_scoped3A : memref<!tpu.dma_semaphore, #tpu.memory_space<semaphore_mem>>) src(%arg9 : memref<80x128xf32, #tpu.memory_space<vmem>>) dst(%dma_wait3A_63 : memref<5248x128xf32, #tpu.memory_space<vmem_shared>>)
        tpu.yield
      }) : () -> ()
      %lt3A = arith.constant 124 : i32
      %lt3A_40 = arith.cmpi slt, %scan3A_25, %lt3A : i32
      %convert_element_type3A = arith.extui %lt3A_40 : i1 to i32
      %cond3A = arith.constant 0 : i32
      %cond3A_41 = arith.cmpi ne, %convert_element_type3A, %cond3A : i32
      scf.if %cond3A_41 {
        %add3A_52 = arith.constant 2 : i32
        %add3A_53 = arith.addi %mul3A_27, %add3A_52 : i32
        %dma_start3A_54 = arith.constant 0 : i32
        %dma_start3A_55 = tpu.memref_slice %arg7[%add3A_53, %dma_start3A_54] : memref<250x80xi32, #tpu.memory_space<vmem>> -> memref<1x80xi32, #tpu.memory_space<vmem>>
        %dma_start3A_56 = tpu.memref_squeeze %dma_start3A_55 : memref<1x80xi32, #tpu.memory_space<vmem>> -> memref<80xi32, #tpu.memory_space<vmem>>
        %dma_start3A_57 = arith.constant 0 : i32
        %dma_start3A_58 = arith.constant 0 : i32
        %dma_start3A_59 = tpu.memref_slice %arg2[%dma_start3A_57, %dma_start3A_58] : memref<10000x128xf32, #tpu.memory_space<hbm>> -> memref<10000x128xf32, #tpu.memory_space<hbm>>
        tpu.enqueue_indirect_dma source(%dma_start3A_59 : memref<10000x128xf32, #tpu.memory_space<hbm>>) target(%arg9 : memref<80x128xf32, #tpu.memory_space<vmem>>) offsets(%dma_start3A_56 : memref<80xi32, #tpu.memory_space<vmem>>) semaphore(%arg11 : memref<!tpu.dma_semaphore, #tpu.memory_space<semaphore_mem>>)
      } else {
      }
      %add3A_42 = arith.constant 1 : i32
      %add3A_43 = arith.addi %mul3A_27, %add3A_42 : i32
      %dma_wait3A_44 = arith.constant 0 : i32
      %dma_wait3A_45 = tpu.memref_slice %arg7[%add3A_43, %dma_wait3A_44] : memref<250x80xi32, #tpu.memory_space<vmem>> -> memref<1x80xi32, #tpu.memory_space<vmem>>
      %dma_wait3A_46 = tpu.memref_squeeze %dma_wait3A_45 : memref<1x80xi32, #tpu.memory_space<vmem>> -> memref<80xi32, #tpu.memory_space<vmem>>
      %dma_wait3A_47 = arith.constant 0 : i32
      %dma_wait3A_48 = arith.constant 0 : i32
      %dma_wait3A_49 = tpu.memref_slice %arg2[%dma_wait3A_47, %dma_wait3A_48] : memref<10000x128xf32, #tpu.memory_space<hbm>> -> memref<10000x128xf32, #tpu.memory_space<hbm>>
      tpu.wait_indirect_dma semaphore(%arg12 : memref<!tpu.dma_semaphore, #tpu.memory_space<semaphore_mem>>) src(%dma_wait3A_49 : memref<10000x128xf32, #tpu.memory_space<hbm>>) dst(%arg10 : memref<80x128xf32, #tpu.memory_space<vmem>>)
      %add3A_50 = arith.constant 1 : i32
      %add3A_51 = arith.addi %mul3A_27, %add3A_50 : i32
      "tpu.region"() ({
        %run_scoped3A = tpu.sem_alloc : memref<!tpu.dma_semaphore, #tpu.memory_space<semaphore_mem>>
        %dma_start3A_52 = arith.constant 0 : i32
        %dma_start3A_53 = tpu.memref_slice %arg8[%add3A_51, %dma_start3A_52] : memref<250x80xi32, #tpu.memory_space<vmem>> -> memref<1x80xi32, #tpu.memory_space<vmem>>
        %dma_start3A_54 = tpu.memref_squeeze %dma_start3A_53 : memref<1x80xi32, #tpu.memory_space<vmem>> -> memref<80xi32, #tpu.memory_space<vmem>>
        %dma_start3A_55 = arith.constant 0 : i32
        %dma_start3A_56 = arith.constant 0 : i32
        %dma_start3A_57 = tpu.memref_slice %arg13[%dma_start3A_55, %dma_start3A_56] : memref<5248x128xf32, #tpu.memory_space<vmem_shared>> -> memref<5248x128xf32, #tpu.memory_space<vmem_shared>>
        tpu.enqueue_indirect_dma source(%arg10 : memref<80x128xf32, #tpu.memory_space<vmem>>) target(%dma_start3A_57 : memref<5248x128xf32, #tpu.memory_space<vmem_shared>>) offsets(%dma_start3A_54 : memref<80xi32, #tpu.memory_space<vmem>>) semaphore(%run_scoped3A : memref<!tpu.dma_semaphore, #tpu.memory_space<semaphore_mem>>) {add = true}
        %dma_wait3A_58 = arith.constant 0 : i32
        %dma_wait3A_59 = tpu.memref_slice %arg8[%add3A_51, %dma_wait3A_58] : memref<250x80xi32, #tpu.memory_space<vmem>> -> memref<1x80xi32, #tpu.memory_space<vmem>>
        %dma_wait3A_60 = tpu.memref_squeeze %dma_wait3A_59 : memref<1x80xi32, #tpu.memory_space<vmem>> -> memref<80xi32, #tpu.memory_space<vmem>>
        %dma_wait3A_61 = arith.constant 0 : i32
        %dma_wait3A_62 = arith.constant 0 : i32
        %dma_wait3A_63 = tpu.memref_slice %arg13[%dma_wait3A_61, %dma_wait3A_62] : memref<5248x128xf32, #tpu.memory_space<vmem_shared>> -> memref<5248x128xf32, #tpu.memory_space<vmem_shared>>
        tpu.wait_indirect_dma semaphore(%run_scoped3A : memref<!tpu.dma_semaphore, #tpu.memory_space<semaphore_mem>>) src(%arg10 : memref<80x128xf32, #tpu.memory_space<vmem>>) dst(%dma_wait3A_63 : memref<5248x128xf32, #tpu.memory_space<vmem_shared>>)
        tpu.yield
      }) : () -> ()
    }
    %scan3A_19 = arith.constant 125 : i32
    %barrier3A_20 = arith.constant 0 : index
    tpu.barrier barrier_id(%barrier3A_20)
    %mul3A_21 = arith.constant 320 : i32
    %mul3A_22 = arith.muli %arg1, %mul3A_21 : i32
    %mul3A_23 = arith.constant 320 : i32
    %mul3A_24 = arith.muli %arg1, %mul3A_23 : i32
    "tpu.region"() ({
      %run_scoped3A = tpu.sem_alloc : memref<!tpu.dma_semaphore, #tpu.memory_space<semaphore_mem>>
      %dma_start3A_25 = arith.constant 0 : i32
      %dma_start3A_26 = tpu.memref_slice %arg6[%arg0, %mul3A_24, %dma_start3A_25] : memref<2x5120x128xf32, #tpu.memory_space<hbm>> -> memref<1x320x128xf32, #tpu.memory_space<hbm>>
      %dma_start3A_27 = tpu.memref_squeeze %dma_start3A_26 : memref<1x320x128xf32, #tpu.memory_space<hbm>> -> memref<320x128xf32, #tpu.memory_space<hbm>>
      %dma_start3A_28 = arith.constant 0 : i32
      %dma_start3A_29 = tpu.memref_slice %arg13[%mul3A_22, %dma_start3A_28] : memref<5248x128xf32, #tpu.memory_space<vmem_shared>> -> memref<320x128xf32, #tpu.memory_space<vmem_shared>>
      tpu.enqueue_dma source(%dma_start3A_29 : memref<320x128xf32, #tpu.memory_space<vmem_shared>>) target(%dma_start3A_27 : memref<320x128xf32, #tpu.memory_space<hbm>>) target_semaphore(%run_scoped3A : memref<!tpu.dma_semaphore, #tpu.memory_space<semaphore_mem>>)
      %dma_wait3A = arith.constant 0 : i32
      %dma_wait3A_30 = tpu.memref_slice %arg6[%arg0, %mul3A_24, %dma_wait3A] : memref<2x5120x128xf32, #tpu.memory_space<hbm>> -> memref<1x320x128xf32, #tpu.memory_space<hbm>>
      %dma_wait3A_31 = tpu.memref_squeeze %dma_wait3A_30 : memref<1x320x128xf32, #tpu.memory_space<hbm>> -> memref<320x128xf32, #tpu.memory_space<hbm>>
      %dma_wait3A_32 = arith.constant 0 : i32
      %dma_wait3A_33 = tpu.memref_slice %arg13[%mul3A_22, %dma_wait3A_32] : memref<5248x128xf32, #tpu.memory_space<vmem_shared>> -> memref<320x128xf32, #tpu.memory_space<vmem_shared>>
      tpu.wait_dma2 semaphore(%run_scoped3A : memref<!tpu.dma_semaphore, #tpu.memory_space<semaphore_mem>>) src(%dma_wait3A_33 : memref<320x128xf32, #tpu.memory_space<vmem_shared>>) dst(%dma_wait3A_31 : memref<320x128xf32, #tpu.memory_space<hbm>>)
      tpu.yield
    }) : () -> ()
    return
  }
}

#map = affine_map<(d0, d1) -> (0, 0)>
#map1 = affine_map<(d0, d1) -> (0, 0, 0)>
module attributes {stable_mosaic.version = 14 : i64} {
  func.func @_agg_body(%arg0: i32, %arg1: i32, %arg2: memref<10000x128xf32, #tpu.memory_space<hbm>>, %arg3: memref<16x250x80xi32, #tpu.memory_space<hbm>>, %arg4: memref<16x250x80xi32, #tpu.memory_space<hbm>>, %arg5: memref<328x128xf32, #tpu.memory_space<hbm>>, %arg6: memref<2x5120x128xf32, #tpu.memory_space<hbm>>, %arg7: memref<250x80xi32, #tpu.memory_space<vmem>>, %arg8: memref<250x80xi32, #tpu.memory_space<vmem>>, %arg9: memref<80x128xf32, #tpu.memory_space<vmem>>, %arg10: memref<80x128xf32, #tpu.memory_space<vmem>>, %arg11: memref<!tpu.dma_semaphore, #tpu.memory_space<semaphore_mem>>, %arg12: memref<!tpu.dma_semaphore, #tpu.memory_space<semaphore_mem>>, %arg13: memref<5248x128xf32, #tpu.memory_space<vmem_shared>>) attributes {dimension_semantics = [#tpu.dimension_semantics<core_parallel>, #tpu.dimension_semantics<subcore_parallel>], iteration_bounds = array<i64: 2, 16>, scalar_prefetch = 0 : i64, scratch_operands = 7 : i64, tpu.core_type = #tpu.core_type<sc_vector_subcore>, window_params = [{transform_indices = #map}, {transform_indices = #map1}, {transform_indices = #map1}, {transform_indices = #map}, {transform_indices = #map1}]} {
    %mul3A = arith.constant 328 : i32
    %mul3A_0 = arith.muli %arg1, %mul3A : i32
    "tpu.region"() ({
      %run_scoped3A = tpu.sem_alloc : memref<!tpu.dma_semaphore, #tpu.memory_space<semaphore_mem>>
      %dma_start3A_25 = arith.constant 0 : i32
      %dma_start3A_26 = tpu.memref_slice %arg13[%mul3A_0, %dma_start3A_25] : memref<5248x128xf32, #tpu.memory_space<vmem_shared>> -> memref<328x128xf32, #tpu.memory_space<vmem_shared>>
      tpu.enqueue_dma source(%arg5 : memref<328x128xf32, #tpu.memory_space<hbm>>) target(%dma_start3A_26 : memref<328x128xf32, #tpu.memory_space<vmem_shared>>) target_semaphore(%run_scoped3A : memref<!tpu.dma_semaphore, #tpu.memory_space<semaphore_mem>>)
      %dma_wait3A = arith.constant 0 : i32
      %dma_wait3A_27 = tpu.memref_slice %arg13[%mul3A_0, %dma_wait3A] : memref<5248x128xf32, #tpu.memory_space<vmem_shared>> -> memref<328x128xf32, #tpu.memory_space<vmem_shared>>
      tpu.wait_dma2 semaphore(%run_scoped3A : memref<!tpu.dma_semaphore, #tpu.memory_space<semaphore_mem>>) src(%arg5 : memref<328x128xf32, #tpu.memory_space<hbm>>) dst(%dma_wait3A_27 : memref<328x128xf32, #tpu.memory_space<vmem_shared>>)
      tpu.yield
    }) : () -> ()
    "tpu.region"() ({
      %run_scoped3A = tpu.sem_alloc : memref<!tpu.dma_semaphore, #tpu.memory_space<semaphore_mem>>
      %dma_start3A_25 = arith.constant 0 : i32
      %dma_start3A_26 = arith.constant 0 : i32
      %dma_start3A_27 = tpu.memref_slice %arg3[%arg1, %dma_start3A_25, %dma_start3A_26] : memref<16x250x80xi32, #tpu.memory_space<hbm>> -> memref<1x250x80xi32, #tpu.memory_space<hbm>>
      %dma_start3A_28 = tpu.memref_squeeze %dma_start3A_27 : memref<1x250x80xi32, #tpu.memory_space<hbm>> -> memref<250x80xi32, #tpu.memory_space<hbm>>
      %dma_start3A_29 = arith.constant 0 : i32
      %dma_start3A_30 = arith.constant 0 : i32
      %dma_start3A_31 = tpu.memref_slice %arg3[%arg1, %dma_start3A_29, %dma_start3A_30] : memref<16x250x80xi32, #tpu.memory_space<hbm>> -> memref<1x250x80xi32, #tpu.memory_space<hbm>>
      %dma_start3A_32 = tpu.memref_squeeze %dma_start3A_31 : memref<1x250x80xi32, #tpu.memory_space<hbm>> -> memref<250x80xi32, #tpu.memory_space<hbm>>
      tpu.enqueue_dma source(%dma_start3A_32 : memref<250x80xi32, #tpu.memory_space<hbm>>) target(%arg7 : memref<250x80xi32, #tpu.memory_space<vmem>>) target_semaphore(%run_scoped3A : memref<!tpu.dma_semaphore, #tpu.memory_space<semaphore_mem>>)
      %dma_wait3A = arith.constant 0 : i32
      %dma_wait3A_33 = arith.constant 0 : i32
      %dma_wait3A_34 = tpu.memref_slice %arg3[%arg1, %dma_wait3A, %dma_wait3A_33] : memref<16x250x80xi32, #tpu.memory_space<hbm>> -> memref<1x250x80xi32, #tpu.memory_space<hbm>>
      %dma_wait3A_35 = tpu.memref_squeeze %dma_wait3A_34 : memref<1x250x80xi32, #tpu.memory_space<hbm>> -> memref<250x80xi32, #tpu.memory_space<hbm>>
      %dma_wait3A_36 = arith.constant 0 : i32
      %dma_wait3A_37 = arith.constant 0 : i32
      %dma_wait3A_38 = tpu.memref_slice %arg3[%arg1, %dma_wait3A_36, %dma_wait3A_37] : memref<16x250x80xi32, #tpu.memory_space<hbm>> -> memref<1x250x80xi32, #tpu.memory_space<hbm>>
      %dma_wait3A_39 = tpu.memref_squeeze %dma_wait3A_38 : memref<1x250x80xi32, #tpu.memory_space<hbm>> -> memref<250x80xi32, #tpu.memory_space<hbm>>
      tpu.wait_dma2 semaphore(%run_scoped3A : memref<!tpu.dma_semaphore, #tpu.memory_space<semaphore_mem>>) src(%dma_wait3A_39 : memref<250x80xi32, #tpu.memory_space<hbm>>) dst(%arg7 : memref<250x80xi32, #tpu.memory_space<vmem>>)
      tpu.yield
    }) : () -> ()
    "tpu.region"() ({
      %run_scoped3A = tpu.sem_alloc : memref<!tpu.dma_semaphore, #tpu.memory_space<semaphore_mem>>
      %dma_start3A_25 = arith.constant 0 : i32
      %dma_start3A_26 = arith.constant 0 : i32
      %dma_start3A_27 = tpu.memref_slice %arg4[%arg1, %dma_start3A_25, %dma_start3A_26] : memref<16x250x80xi32, #tpu.memory_space<hbm>> -> memref<1x250x80xi32, #tpu.memory_space<hbm>>
      %dma_start3A_28 = tpu.memref_squeeze %dma_start3A_27 : memref<1x250x80xi32, #tpu.memory_space<hbm>> -> memref<250x80xi32, #tpu.memory_space<hbm>>
      %dma_start3A_29 = arith.constant 0 : i32
      %dma_start3A_30 = arith.constant 0 : i32
      %dma_start3A_31 = tpu.memref_slice %arg4[%arg1, %dma_start3A_29, %dma_start3A_30] : memref<16x250x80xi32, #tpu.memory_space<hbm>> -> memref<1x250x80xi32, #tpu.memory_space<hbm>>
      %dma_start3A_32 = tpu.memref_squeeze %dma_start3A_31 : memref<1x250x80xi32, #tpu.memory_space<hbm>> -> memref<250x80xi32, #tpu.memory_space<hbm>>
      tpu.enqueue_dma source(%dma_start3A_32 : memref<250x80xi32, #tpu.memory_space<hbm>>) target(%arg8 : memref<250x80xi32, #tpu.memory_space<vmem>>) target_semaphore(%run_scoped3A : memref<!tpu.dma_semaphore, #tpu.memory_space<semaphore_mem>>)
      %dma_wait3A = arith.constant 0 : i32
      %dma_wait3A_33 = arith.constant 0 : i32
      %dma_wait3A_34 = tpu.memref_slice %arg4[%arg1, %dma_wait3A, %dma_wait3A_33] : memref<16x250x80xi32, #tpu.memory_space<hbm>> -> memref<1x250x80xi32, #tpu.memory_space<hbm>>
      %dma_wait3A_35 = tpu.memref_squeeze %dma_wait3A_34 : memref<1x250x80xi32, #tpu.memory_space<hbm>> -> memref<250x80xi32, #tpu.memory_space<hbm>>
      %dma_wait3A_36 = arith.constant 0 : i32
      %dma_wait3A_37 = arith.constant 0 : i32
      %dma_wait3A_38 = tpu.memref_slice %arg4[%arg1, %dma_wait3A_36, %dma_wait3A_37] : memref<16x250x80xi32, #tpu.memory_space<hbm>> -> memref<1x250x80xi32, #tpu.memory_space<hbm>>
      %dma_wait3A_39 = tpu.memref_squeeze %dma_wait3A_38 : memref<1x250x80xi32, #tpu.memory_space<hbm>> -> memref<250x80xi32, #tpu.memory_space<hbm>>
      tpu.wait_dma2 semaphore(%run_scoped3A : memref<!tpu.dma_semaphore, #tpu.memory_space<semaphore_mem>>) src(%dma_wait3A_39 : memref<250x80xi32, #tpu.memory_space<hbm>>) dst(%arg8 : memref<250x80xi32, #tpu.memory_space<vmem>>)
      tpu.yield
    }) : () -> ()
    %mul3A_1 = arith.constant 5120 : i32
    %mul3A_2 = arith.muli %arg0, %mul3A_1 : i32
    %scan3A = arith.constant 0 : i32
    %scan3A_3 = arith.constant 0 : i32
    %scan3A_4 = arith.constant 250 : i32
    %scan3A_5 = arith.addi %scan3A_3, %scan3A_4 : i32
    %scan3A_6 = arith.constant 1 : i32
    scf.for %scan3A_25 = %scan3A_3 to %scan3A_5 step %scan3A_6  : i32 {
      %get3A = arith.index_cast %scan3A_25 : i32 to index
      %get3A_26 = arith.constant 0 : index
      %get3A_27 = tpu.vector_load %arg8[%get3A, %get3A_26] {strides = array<i32>} : memref<250x80xi32, #tpu.memory_space<vmem>>, vector<1x16xi32>,
      %get3A_28 = vector.shape_cast %get3A_27 : vector<1x16xi32> to vector<16xi32>
      %sub3A = vector.broadcast %mul3A_2 : i32 to vector<16xi32>
      %sub3A_29 = arith.subi %get3A_28, %sub3A : vector<16xi32>
      %ge3A = arith.constant 0 : i32
      %ge3A_30 = vector.broadcast %ge3A : i32 to vector<16xi32>
      %ge3A_31 = arith.cmpi sge, %sub3A_29, %ge3A_30 : vector<16xi32>
      %lt3A = arith.constant 5120 : i32
      %lt3A_32 = vector.broadcast %lt3A : i32 to vector<16xi32>
      %lt3A_33 = arith.cmpi slt, %sub3A_29, %lt3A_32 : vector<16xi32>
      %and3A = arith.andi %ge3A_31, %lt3A_33 : vector<16xi1>
      %jit3A = arith.constant 5120 : i32
      %broadcast_in_dim3A = vector.broadcast %jit3A : i32 to vector<16xi32>
      %select_n3A = arith.select %and3A, %sub3A_29, %broadcast_in_dim3A : vector<16xi1>, vector<16xi32>
      %swap3A = arith.index_cast %scan3A_25 : i32 to index
      %swap3A_34 = arith.constant 0 : index
      %swap3A_35 = tpu.vector_load %arg8[%swap3A, %swap3A_34] {strides = array<i32>} : memref<250x80xi32, #tpu.memory_space<vmem>>, vector<1x16xi32>,
      %swap3A_36 = vector.shape_cast %swap3A_35 : vector<1x16xi32> to vector<16xi32>
      %swap3A_37 = vector.shape_cast %select_n3A : vector<16xi32> to vector<1x16xi32>
      tpu.vector_store %arg8[%swap3A, %swap3A_34], %swap3A_37 {strides = array<i32>} : memref<250x80xi32, #tpu.memory_space<vmem>>, vector<1x16xi32>,
      %get3A_38 = arith.index_cast %scan3A_25 : i32 to index
      %get3A_39 = arith.constant 16 : index
      %get3A_40 = tpu.vector_load %arg8[%get3A_38, %get3A_39] {strides = array<i32>} : memref<250x80xi32, #tpu.memory_space<vmem>>, vector<1x16xi32>,
      %get3A_41 = vector.shape_cast %get3A_40 : vector<1x16xi32> to vector<16xi32>
      %sub3A_42 = vector.broadcast %mul3A_2 : i32 to vector<16xi32>
      %sub3A_43 = arith.subi %get3A_41, %sub3A_42 : vector<16xi32>
      %ge3A_44 = arith.constant 0 : i32
      %ge3A_45 = vector.broadcast %ge3A_44 : i32 to vector<16xi32>
      %ge3A_46 = arith.cmpi sge, %sub3A_43, %ge3A_45 : vector<16xi32>
      %lt3A_47 = arith.constant 5120 : i32
      %lt3A_48 = vector.broadcast %lt3A_47 : i32 to vector<16xi32>
      %lt3A_49 = arith.cmpi slt, %sub3A_43, %lt3A_48 : vector<16xi32>
      %and3A_50 = arith.andi %ge3A_46, %lt3A_49 : vector<16xi1>
      %jit3A_51 = arith.constant 5120 : i32
      %broadcast_in_dim3A_52 = vector.broadcast %jit3A_51 : i32 to vector<16xi32>
      %select_n3A_53 = arith.select %and3A_50, %sub3A_43, %broadcast_in_dim3A_52 : vector<16xi1>, vector<16xi32>
      %swap3A_54 = arith.index_cast %scan3A_25 : i32 to index
      %swap3A_55 = arith.constant 16 : index
      %swap3A_56 = tpu.vector_load %arg8[%swap3A_54, %swap3A_55] {strides = array<i32>} : memref<250x80xi32, #tpu.memory_space<vmem>>, vector<1x16xi32>,
      %swap3A_57 = vector.shape_cast %swap3A_56 : vector<1x16xi32> to vector<16xi32>
      %swap3A_58 = vector.shape_cast %select_n3A_53 : vector<16xi32> to vector<1x16xi32>
      tpu.vector_store %arg8[%swap3A_54, %swap3A_55], %swap3A_58 {strides = array<i32>} : memref<250x80xi32, #tpu.memory_space<vmem>>, vector<1x16xi32>,
      %get3A_59 = arith.index_cast %scan3A_25 : i32 to index
      %get3A_60 = arith.constant 32 : index
      %get3A_61 = tpu.vector_load %arg8[%get3A_59, %get3A_60] {strides = array<i32>} : memref<250x80xi32, #tpu.memory_space<vmem>>, vector<1x16xi32>,
      %get3A_62 = vector.shape_cast %get3A_61 : vector<1x16xi32> to vector<16xi32>
      %sub3A_63 = vector.broadcast %mul3A_2 : i32 to vector<16xi32>
      %sub3A_64 = arith.subi %get3A_62, %sub3A_63 : vector<16xi32>
      %ge3A_65 = arith.constant 0 : i32
      %ge3A_66 = vector.broadcast %ge3A_65 : i32 to vector<16xi32>
      %ge3A_67 = arith.cmpi sge, %sub3A_64, %ge3A_66 : vector<16xi32>
      %lt3A_68 = arith.constant 5120 : i32
      %lt3A_69 = vector.broadcast %lt3A_68 : i32 to vector<16xi32>
      %lt3A_70 = arith.cmpi slt, %sub3A_64, %lt3A_69 : vector<16xi32>
      %and3A_71 = arith.andi %ge3A_67, %lt3A_70 : vector<16xi1>
      %jit3A_72 = arith.constant 5120 : i32
      %broadcast_in_dim3A_73 = vector.broadcast %jit3A_72 : i32 to vector<16xi32>
      %select_n3A_74 = arith.select %and3A_71, %sub3A_64, %broadcast_in_dim3A_73 : vector<16xi1>, vector<16xi32>
      %swap3A_75 = arith.index_cast %scan3A_25 : i32 to index
      %swap3A_76 = arith.constant 32 : index
      %swap3A_77 = tpu.vector_load %arg8[%swap3A_75, %swap3A_76] {strides = array<i32>} : memref<250x80xi32, #tpu.memory_space<vmem>>, vector<1x16xi32>,
      %swap3A_78 = vector.shape_cast %swap3A_77 : vector<1x16xi32> to vector<16xi32>
      %swap3A_79 = vector.shape_cast %select_n3A_74 : vector<16xi32> to vector<1x16xi32>
      tpu.vector_store %arg8[%swap3A_75, %swap3A_76], %swap3A_79 {strides = array<i32>} : memref<250x80xi32, #tpu.memory_space<vmem>>, vector<1x16xi32>,
      %get3A_80 = arith.index_cast %scan3A_25 : i32 to index
      %get3A_81 = arith.constant 48 : index
      %get3A_82 = tpu.vector_load %arg8[%get3A_80, %get3A_81] {strides = array<i32>} : memref<250x80xi32, #tpu.memory_space<vmem>>, vector<1x16xi32>,
      %get3A_83 = vector.shape_cast %get3A_82 : vector<1x16xi32> to vector<16xi32>
      %sub3A_84 = vector.broadcast %mul3A_2 : i32 to vector<16xi32>
      %sub3A_85 = arith.subi %get3A_83, %sub3A_84 : vector<16xi32>
      %ge3A_86 = arith.constant 0 : i32
      %ge3A_87 = vector.broadcast %ge3A_86 : i32 to vector<16xi32>
      %ge3A_88 = arith.cmpi sge, %sub3A_85, %ge3A_87 : vector<16xi32>
      %lt3A_89 = arith.constant 5120 : i32
      %lt3A_90 = vector.broadcast %lt3A_89 : i32 to vector<16xi32>
      %lt3A_91 = arith.cmpi slt, %sub3A_85, %lt3A_90 : vector<16xi32>
      %and3A_92 = arith.andi %ge3A_88, %lt3A_91 : vector<16xi1>
      %jit3A_93 = arith.constant 5120 : i32
      %broadcast_in_dim3A_94 = vector.broadcast %jit3A_93 : i32 to vector<16xi32>
      %select_n3A_95 = arith.select %and3A_92, %sub3A_85, %broadcast_in_dim3A_94 : vector<16xi1>, vector<16xi32>
      %swap3A_96 = arith.index_cast %scan3A_25 : i32 to index
      %swap3A_97 = arith.constant 48 : index
      %swap3A_98 = tpu.vector_load %arg8[%swap3A_96, %swap3A_97] {strides = array<i32>} : memref<250x80xi32, #tpu.memory_space<vmem>>, vector<1x16xi32>,
      %swap3A_99 = vector.shape_cast %swap3A_98 : vector<1x16xi32> to vector<16xi32>
      %swap3A_100 = vector.shape_cast %select_n3A_95 : vector<16xi32> to vector<1x16xi32>
      tpu.vector_store %arg8[%swap3A_96, %swap3A_97], %swap3A_100 {strides = array<i32>} : memref<250x80xi32, #tpu.memory_space<vmem>>, vector<1x16xi32>,
      %get3A_101 = arith.index_cast %scan3A_25 : i32 to index
      %get3A_102 = arith.constant 64 : index
      %get3A_103 = tpu.vector_load %arg8[%get3A_101, %get3A_102] {strides = array<i32>} : memref<250x80xi32, #tpu.memory_space<vmem>>, vector<1x16xi32>,
      %get3A_104 = vector.shape_cast %get3A_103 : vector<1x16xi32> to vector<16xi32>
      %sub3A_105 = vector.broadcast %mul3A_2 : i32 to vector<16xi32>
      %sub3A_106 = arith.subi %get3A_104, %sub3A_105 : vector<16xi32>
      %ge3A_107 = arith.constant 0 : i32
      %ge3A_108 = vector.broadcast %ge3A_107 : i32 to vector<16xi32>
      %ge3A_109 = arith.cmpi sge, %sub3A_106, %ge3A_108 : vector<16xi32>
      %lt3A_110 = arith.constant 5120 : i32
      %lt3A_111 = vector.broadcast %lt3A_110 : i32 to vector<16xi32>
      %lt3A_112 = arith.cmpi slt, %sub3A_106, %lt3A_111 : vector<16xi32>
      %and3A_113 = arith.andi %ge3A_109, %lt3A_112 : vector<16xi1>
      %jit3A_114 = arith.constant 5120 : i32
      %broadcast_in_dim3A_115 = vector.broadcast %jit3A_114 : i32 to vector<16xi32>
      %select_n3A_116 = arith.select %and3A_113, %sub3A_106, %broadcast_in_dim3A_115 : vector<16xi1>, vector<16xi32>
      %swap3A_117 = arith.index_cast %scan3A_25 : i32 to index
      %swap3A_118 = arith.constant 64 : index
      %swap3A_119 = tpu.vector_load %arg8[%swap3A_117, %swap3A_118] {strides = array<i32>} : memref<250x80xi32, #tpu.memory_space<vmem>>, vector<1x16xi32>,
      %swap3A_120 = vector.shape_cast %swap3A_119 : vector<1x16xi32> to vector<16xi32>
      %swap3A_121 = vector.shape_cast %select_n3A_116 : vector<16xi32> to vector<1x16xi32>
      tpu.vector_store %arg8[%swap3A_117, %swap3A_118], %swap3A_121 {strides = array<i32>} : memref<250x80xi32, #tpu.memory_space<vmem>>, vector<1x16xi32>,
    }
    %scan3A_7 = arith.constant 250 : i32
    %barrier3A = arith.constant 0 : index
    tpu.barrier barrier_id(%barrier3A)
    %dma_start3A = arith.constant 0 : i32
    %dma_start3A_8 = arith.constant 0 : i32
    %dma_start3A_9 = tpu.memref_slice %arg7[%dma_start3A, %dma_start3A_8] : memref<250x80xi32, #tpu.memory_space<vmem>> -> memref<1x80xi32, #tpu.memory_space<vmem>>
    %dma_start3A_10 = tpu.memref_squeeze %dma_start3A_9 : memref<1x80xi32, #tpu.memory_space<vmem>> -> memref<80xi32, #tpu.memory_space<vmem>>
    %dma_start3A_11 = arith.constant 0 : i32
    %dma_start3A_12 = arith.constant 0 : i32
    %dma_start3A_13 = tpu.memref_slice %arg2[%dma_start3A_11, %dma_start3A_12] : memref<10000x128xf32, #tpu.memory_space<hbm>> -> memref<10000x128xf32, #tpu.memory_space<hbm>>
    tpu.enqueue_indirect_dma source(%dma_start3A_13 : memref<10000x128xf32, #tpu.memory_space<hbm>>) target(%arg9 : memref<80x128xf32, #tpu.memory_space<vmem>>) offsets(%dma_start3A_10 : memref<80xi32, #tpu.memory_space<vmem>>) semaphore(%arg11 : memref<!tpu.dma_semaphore, #tpu.memory_space<semaphore_mem>>)
    %scan3A_14 = arith.constant 0 : i32
    %scan3A_15 = arith.constant 0 : i32
    %scan3A_16 = arith.constant 125 : i32
    %scan3A_17 = arith.addi %scan3A_15, %scan3A_16 : i32
    %scan3A_18 = arith.constant 1 : i32
    scf.for %scan3A_25 = %scan3A_15 to %scan3A_17 step %scan3A_18  : i32 {
      %mul3A_26 = arith.constant 2 : i32
      %mul3A_27 = arith.muli %mul3A_26, %scan3A_25 : i32
      %add3A = arith.constant 1 : i32
      %add3A_28 = arith.addi %mul3A_27, %add3A : i32
      %dma_start3A_29 = arith.constant 0 : i32
      %dma_start3A_30 = tpu.memref_slice %arg7[%add3A_28, %dma_start3A_29] : memref<250x80xi32, #tpu.memory_space<vmem>> -> memref<1x80xi32, #tpu.memory_space<vmem>>
      %dma_start3A_31 = tpu.memref_squeeze %dma_start3A_30 : memref<1x80xi32, #tpu.memory_space<vmem>> -> memref<80xi32, #tpu.memory_space<vmem>>
      %dma_start3A_32 = arith.constant 0 : i32
      %dma_start3A_33 = arith.constant 0 : i32
      %dma_start3A_34 = tpu.memref_slice %arg2[%dma_start3A_32, %dma_start3A_33] : memref<10000x128xf32, #tpu.memory_space<hbm>> -> memref<10000x128xf32, #tpu.memory_space<hbm>>
      tpu.enqueue_indirect_dma source(%dma_start3A_34 : memref<10000x128xf32, #tpu.memory_space<hbm>>) target(%arg10 : memref<80x128xf32, #tpu.memory_space<vmem>>) offsets(%dma_start3A_31 : memref<80xi32, #tpu.memory_space<vmem>>) semaphore(%arg12 : memref<!tpu.dma_semaphore, #tpu.memory_space<semaphore_mem>>)
      %dma_wait3A = arith.constant 0 : i32
      %dma_wait3A_35 = tpu.memref_slice %arg7[%mul3A_27, %dma_wait3A] : memref<250x80xi32, #tpu.memory_space<vmem>> -> memref<1x80xi32, #tpu.memory_space<vmem>>
      %dma_wait3A_36 = tpu.memref_squeeze %dma_wait3A_35 : memref<1x80xi32, #tpu.memory_space<vmem>> -> memref<80xi32, #tpu.memory_space<vmem>>
      %dma_wait3A_37 = arith.constant 0 : i32
      %dma_wait3A_38 = arith.constant 0 : i32
      %dma_wait3A_39 = tpu.memref_slice %arg2[%dma_wait3A_37, %dma_wait3A_38] : memref<10000x128xf32, #tpu.memory_space<hbm>> -> memref<10000x128xf32, #tpu.memory_space<hbm>>
      tpu.wait_indirect_dma semaphore(%arg11 : memref<!tpu.dma_semaphore, #tpu.memory_space<semaphore_mem>>) src(%dma_wait3A_39 : memref<10000x128xf32, #tpu.memory_space<hbm>>) dst(%arg9 : memref<80x128xf32, #tpu.memory_space<vmem>>)
      "tpu.region"() ({
        %run_scoped3A = tpu.sem_alloc : memref<!tpu.dma_semaphore, #tpu.memory_space<semaphore_mem>>
        %dma_start3A_52 = arith.constant 0 : i32
        %dma_start3A_53 = tpu.memref_slice %arg8[%mul3A_27, %dma_start3A_52] : memref<250x80xi32, #tpu.memory_space<vmem>> -> memref<1x80xi32, #tpu.memory_space<vmem>>
        %dma_start3A_54 = tpu.memref_squeeze %dma_start3A_53 : memref<1x80xi32, #tpu.memory_space<vmem>> -> memref<80xi32, #tpu.memory_space<vmem>>
        %dma_start3A_55 = arith.constant 0 : i32
        %dma_start3A_56 = arith.constant 0 : i32
        %dma_start3A_57 = tpu.memref_slice %arg13[%dma_start3A_55, %dma_start3A_56] : memref<5248x128xf32, #tpu.memory_space<vmem_shared>> -> memref<5248x128xf32, #tpu.memory_space<vmem_shared>>
        tpu.enqueue_indirect_dma source(%arg9 : memref<80x128xf32, #tpu.memory_space<vmem>>) target(%dma_start3A_57 : memref<5248x128xf32, #tpu.memory_space<vmem_shared>>) offsets(%dma_start3A_54 : memref<80xi32, #tpu.memory_space<vmem>>) semaphore(%run_scoped3A : memref<!tpu.dma_semaphore, #tpu.memory_space<semaphore_mem>>) {add = true}
        %dma_wait3A_58 = arith.constant 0 : i32
        %dma_wait3A_59 = tpu.memref_slice %arg8[%mul3A_27, %dma_wait3A_58] : memref<250x80xi32, #tpu.memory_space<vmem>> -> memref<1x80xi32, #tpu.memory_space<vmem>>
        %dma_wait3A_60 = tpu.memref_squeeze %dma_wait3A_59 : memref<1x80xi32, #tpu.memory_space<vmem>> -> memref<80xi32, #tpu.memory_space<vmem>>
        %dma_wait3A_61 = arith.constant 0 : i32
        %dma_wait3A_62 = arith.constant 0 : i32
        %dma_wait3A_63 = tpu.memref_slice %arg13[%dma_wait3A_61, %dma_wait3A_62] : memref<5248x128xf32, #tpu.memory_space<vmem_shared>> -> memref<5248x128xf32, #tpu.memory_space<vmem_shared>>
        tpu.wait_indirect_dma semaphore(%run_scoped3A : memref<!tpu.dma_semaphore, #tpu.memory_space<semaphore_mem>>) src(%arg9 : memref<80x128xf32, #tpu.memory_space<vmem>>) dst(%dma_wait3A_63 : memref<5248x128xf32, #tpu.memory_space<vmem_shared>>)
        tpu.yield
      }) : () -> ()
      %lt3A = arith.constant 124 : i32
      %lt3A_40 = arith.cmpi slt, %scan3A_25, %lt3A : i32
      %convert_element_type3A = arith.extui %lt3A_40 : i1 to i32
      %cond3A = arith.constant 0 : i32
      %cond3A_41 = arith.cmpi ne, %convert_element_type3A, %cond3A : i32
      scf.if %cond3A_41 {
        %add3A_52 = arith.constant 2 : i32
        %add3A_53 = arith.addi %mul3A_27, %add3A_52 : i32
        %dma_start3A_54 = arith.constant 0 : i32
        %dma_start3A_55 = tpu.memref_slice %arg7[%add3A_53, %dma_start3A_54] : memref<250x80xi32, #tpu.memory_space<vmem>> -> memref<1x80xi32, #tpu.memory_space<vmem>>
        %dma_start3A_56 = tpu.memref_squeeze %dma_start3A_55 : memref<1x80xi32, #tpu.memory_space<vmem>> -> memref<80xi32, #tpu.memory_space<vmem>>
        %dma_start3A_57 = arith.constant 0 : i32
        %dma_start3A_58 = arith.constant 0 : i32
        %dma_start3A_59 = tpu.memref_slice %arg2[%dma_start3A_57, %dma_start3A_58] : memref<10000x128xf32, #tpu.memory_space<hbm>> -> memref<10000x128xf32, #tpu.memory_space<hbm>>
        tpu.enqueue_indirect_dma source(%dma_start3A_59 : memref<10000x128xf32, #tpu.memory_space<hbm>>) target(%arg9 : memref<80x128xf32, #tpu.memory_space<vmem>>) offsets(%dma_start3A_56 : memref<80xi32, #tpu.memory_space<vmem>>) semaphore(%arg11 : memref<!tpu.dma_semaphore, #tpu.memory_space<semaphore_mem>>)
      } else {
      }
      %add3A_42 = arith.constant 1 : i32
      %add3A_43 = arith.addi %mul3A_27, %add3A_42 : i32
      %dma_wait3A_44 = arith.constant 0 : i32
      %dma_wait3A_45 = tpu.memref_slice %arg7[%add3A_43, %dma_wait3A_44] : memref<250x80xi32, #tpu.memory_space<vmem>> -> memref<1x80xi32, #tpu.memory_space<vmem>>
      %dma_wait3A_46 = tpu.memref_squeeze %dma_wait3A_45 : memref<1x80xi32, #tpu.memory_space<vmem>> -> memref<80xi32, #tpu.memory_space<vmem>>
      %dma_wait3A_47 = arith.constant 0 : i32
      %dma_wait3A_48 = arith.constant 0 : i32
      %dma_wait3A_49 = tpu.memref_slice %arg2[%dma_wait3A_47, %dma_wait3A_48] : memref<10000x128xf32, #tpu.memory_space<hbm>> -> memref<10000x128xf32, #tpu.memory_space<hbm>>
      tpu.wait_indirect_dma semaphore(%arg12 : memref<!tpu.dma_semaphore, #tpu.memory_space<semaphore_mem>>) src(%dma_wait3A_49 : memref<10000x128xf32, #tpu.memory_space<hbm>>) dst(%arg10 : memref<80x128xf32, #tpu.memory_space<vmem>>)
      %add3A_50 = arith.constant 1 : i32
      %add3A_51 = arith.addi %mul3A_27, %add3A_50 : i32
      "tpu.region"() ({
        %run_scoped3A = tpu.sem_alloc : memref<!tpu.dma_semaphore, #tpu.memory_space<semaphore_mem>>
        %dma_start3A_52 = arith.constant 0 : i32
        %dma_start3A_53 = tpu.memref_slice %arg8[%add3A_51, %dma_start3A_52] : memref<250x80xi32, #tpu.memory_space<vmem>> -> memref<1x80xi32, #tpu.memory_space<vmem>>
        %dma_start3A_54 = tpu.memref_squeeze %dma_start3A_53 : memref<1x80xi32, #tpu.memory_space<vmem>> -> memref<80xi32, #tpu.memory_space<vmem>>
        %dma_start3A_55 = arith.constant 0 : i32
        %dma_start3A_56 = arith.constant 0 : i32
        %dma_start3A_57 = tpu.memref_slice %arg13[%dma_start3A_55, %dma_start3A_56] : memref<5248x128xf32, #tpu.memory_space<vmem_shared>> -> memref<5248x128xf32, #tpu.memory_space<vmem_shared>>
        tpu.enqueue_indirect_dma source(%arg10 : memref<80x128xf32, #tpu.memory_space<vmem>>) target(%dma_start3A_57 : memref<5248x128xf32, #tpu.memory_space<vmem_shared>>) offsets(%dma_start3A_54 : memref<80xi32, #tpu.memory_space<vmem>>) semaphore(%run_scoped3A : memref<!tpu.dma_semaphore, #tpu.memory_space<semaphore_mem>>) {add = true}
        %dma_wait3A_58 = arith.constant 0 : i32
        %dma_wait3A_59 = tpu.memref_slice %arg8[%add3A_51, %dma_wait3A_58] : memref<250x80xi32, #tpu.memory_space<vmem>> -> memref<1x80xi32, #tpu.memory_space<vmem>>
        %dma_wait3A_60 = tpu.memref_squeeze %dma_wait3A_59 : memref<1x80xi32, #tpu.memory_space<vmem>> -> memref<80xi32, #tpu.memory_space<vmem>>
        %dma_wait3A_61 = arith.constant 0 : i32
        %dma_wait3A_62 = arith.constant 0 : i32
        %dma_wait3A_63 = tpu.memref_slice %arg13[%dma_wait3A_61, %dma_wait3A_62] : memref<5248x128xf32, #tpu.memory_space<vmem_shared>> -> memref<5248x128xf32, #tpu.memory_space<vmem_shared>>
        tpu.wait_indirect_dma semaphore(%run_scoped3A : memref<!tpu.dma_semaphore, #tpu.memory_space<semaphore_mem>>) src(%arg10 : memref<80x128xf32, #tpu.memory_space<vmem>>) dst(%dma_wait3A_63 : memref<5248x128xf32, #tpu.memory_space<vmem_shared>>)
        tpu.yield
      }) : () -> ()
    }
    %scan3A_19 = arith.constant 125 : i32
    %barrier3A_20 = arith.constant 0 : index
    tpu.barrier barrier_id(%barrier3A_20)
    %mul3A_21 = arith.constant 320 : i32
    %mul3A_22 = arith.muli %arg1, %mul3A_21 : i32
    %mul3A_23 = arith.constant 320 : i32
    %mul3A_24 = arith.muli %arg1, %mul3A_23 : i32
    "tpu.region"() ({
      %run_scoped3A = tpu.sem_alloc : memref<!tpu.dma_semaphore, #tpu.memory_space<semaphore_mem>>
      %dma_start3A_25 = arith.constant 0 : i32
      %dma_start3A_26 = tpu.memref_slice %arg6[%arg0, %mul3A_24, %dma_start3A_25] : memref<2x5120x128xf32, #tpu.memory_space<hbm>> -> memref<1x320x128xf32, #tpu.memory_space<hbm>>
      %dma_start3A_27 = tpu.memref_squeeze %dma_start3A_26 : memref<1x320x128xf32, #tpu.memory_space<hbm>> -> memref<320x128xf32, #tpu.memory_space<hbm>>
      %dma_start3A_28 = arith.constant 0 : i32
      %dma_start3A_29 = tpu.memref_slice %arg13[%mul3A_22, %dma_start3A_28] : memref<5248x128xf32, #tpu.memory_space<vmem_shared>> -> memref<320x128xf32, #tpu.memory_space<vmem_shared>>
      tpu.enqueue_dma source(%dma_start3A_29 : memref<320x128xf32, #tpu.memory_space<vmem_shared>>) target(%dma_start3A_27 : memref<320x128xf32, #tpu.memory_space<hbm>>) target_semaphore(%run_scoped3A : memref<!tpu.dma_semaphore, #tpu.memory_space<semaphore_mem>>)
      %dma_wait3A = arith.constant 0 : i32
      %dma_wait3A_30 = tpu.memref_slice %arg6[%arg0, %mul3A_24, %dma_wait3A] : memref<2x5120x128xf32, #tpu.memory_space<hbm>> -> memref<1x320x128xf32, #tpu.memory_space<hbm>>
      %dma_wait3A_31 = tpu.memref_squeeze %dma_wait3A_30 : memref<1x320x128xf32, #tpu.memory_space<hbm>> -> memref<320x128xf32, #tpu.memory_space<hbm>>
      %dma_wait3A_32 = arith.constant 0 : i32
      %dma_wait3A_33 = tpu.memref_slice %arg13[%mul3A_22, %dma_wait3A_32] : memref<5248x128xf32, #tpu.memory_space<vmem_shared>> -> memref<320x128xf32, #tpu.memory_space<vmem_shared>>
      tpu.wait_dma2 semaphore(%run_scoped3A : memref<!tpu.dma_semaphore, #tpu.memory_space<semaphore_mem>>) src(%dma_wait3A_33 : memref<320x128xf32, #tpu.memory_space<vmem_shared>>) dst(%dma_wait3A_31 : memref<320x128xf32, #tpu.memory_space<hbm>>)
      tpu.yield
    }) : () -> ()
    return
  }
}

module attributes {stable_mosaic.version = 14 : i64} {
  func.func @_tc1_body(%arg0: memref<10000x128xf32, #tpu.memory_space<vmem>>, %arg1: memref<128x32xf32, #tpu.memory_space<vmem>>, %arg2: memref<32xf32, #tpu.memory_space<vmem>>, %arg3: memref<32x64xf32, #tpu.memory_space<vmem>>, %arg4: memref<64xf32, #tpu.memory_space<vmem>>, %arg5: memref<2x80x128xf32, #tpu.memory_space<vmem>>, %arg6: memref<10000x128xf32, #tpu.memory_space<vmem>>, %arg7: memref<10000x1xf32, #tpu.memory_space<vmem>>) attributes {dimension_semantics = [], scalar_prefetch = 0 : i64, scratch_operands = 0 : i64, tpu.core_type = #tpu.core_type<tc>} {
    %get3A = arith.constant 0 : index
    %get3A_0 = arith.constant 0 : index
    %get3A_1 = vector.load %arg0[%get3A, %get3A_0] : memref<10000x128xf32, #tpu.memory_space<vmem>>, vector<10000x128xf32>
    %get3A_2 = arith.constant 0 : index
    %get3A_3 = arith.constant 0 : index
    %get3A_4 = vector.load %arg1[%get3A_2, %get3A_3] : memref<128x32xf32, #tpu.memory_space<vmem>>, vector<128x32xf32>
    %dot_general3A = arith.constant dense<0.000000e+00> : vector<10000x32xf32>
    %dot_general3A_5 = tpu.matmul %get3A_1, %get3A_4, %dot_general3A {dimension_numbers = #tpu.dot_dimension_numbers<[1], [0], [0], [1], [0, 0, 1, 1], [], []>, transpose_lhs_hint = false} : vector<10000x128xf32>, vector<128x32xf32>, vector<10000x32xf32> -> vector<10000x32xf32>
    %get3A_6 = arith.constant 0 : index
    %get3A_7 = vector.load %arg2[%get3A_6] : memref<32xf32, #tpu.memory_space<vmem>>, vector<32xf32>
    %broadcast_in_dim3A = vector.shape_cast %get3A_7 : vector<32xf32> to vector<1x32xf32>
    %add3A = vector.broadcast %broadcast_in_dim3A : vector<1x32xf32> to vector<10000x32xf32>
    %add3A_8 = arith.addf %dot_general3A_5, %add3A : vector<10000x32xf32>
    %max3A = arith.constant 0.000000e+00 : f32
    %max3A_9 = vector.broadcast %max3A : f32 to vector<10000x32xf32>
    %max3A_10 = arith.maximumf %add3A_8, %max3A_9 : vector<10000x32xf32>
    %get3A_11 = arith.constant 0 : index
    %get3A_12 = arith.constant 0 : index
    %get3A_13 = vector.load %arg3[%get3A_11, %get3A_12] : memref<32x64xf32, #tpu.memory_space<vmem>>, vector<32x64xf32>
    %dot_general3A_14 = arith.constant dense<0.000000e+00> : vector<10000x64xf32>
    %dot_general3A_15 = tpu.matmul %max3A_10, %get3A_13, %dot_general3A_14 {dimension_numbers = #tpu.dot_dimension_numbers<[1], [0], [0], [1], [0, 0, 1, 1], [], []>, transpose_lhs_hint = false} : vector<10000x32xf32>, vector<32x64xf32>, vector<10000x64xf32> -> vector<10000x64xf32>
    %get3A_16 = arith.constant 0 : index
    %get3A_17 = vector.load %arg4[%get3A_16] : memref<64xf32, #tpu.memory_space<vmem>>, vector<64xf32>
    %broadcast_in_dim3A_18 = vector.shape_cast %get3A_17 : vector<64xf32> to vector<1x64xf32>
    %add3A_19 = vector.broadcast %broadcast_in_dim3A_18 : vector<1x64xf32> to vector<10000x64xf32>
    %add3A_20 = arith.addf %dot_general3A_15, %add3A_19 : vector<10000x64xf32>
    %max3A_21 = arith.constant 0.000000e+00 : f32
    %max3A_22 = vector.broadcast %max3A_21 : f32 to vector<10000x64xf32>
    %max3A_23 = arith.maximumf %add3A_20, %max3A_22 : vector<10000x64xf32>
    %get3A_24 = arith.constant 0 : index
    %get3A_25 = arith.constant 0 : index
    %get3A_26 = arith.constant 0 : index
    %get3A_27 = vector.load %arg5[%get3A_24, %get3A_25, %get3A_26] : memref<2x80x128xf32, #tpu.memory_space<vmem>>, vector<1x80x128xf32>
    %get3A_28 = vector.shape_cast %get3A_27 : vector<1x80x128xf32> to vector<80x128xf32>
    %get3A_29 = arith.constant 1 : index
    %get3A_30 = arith.constant 0 : index
    %get3A_31 = arith.constant 0 : index
    %get3A_32 = vector.load %arg5[%get3A_29, %get3A_30, %get3A_31] : memref<2x80x128xf32, #tpu.memory_space<vmem>>, vector<1x80x128xf32>
    %get3A_33 = vector.shape_cast %get3A_32 : vector<1x80x128xf32> to vector<80x128xf32>
    %add3A_34 = arith.addf %get3A_28, %get3A_33 : vector<80x128xf32>
    %iota3A = tpu.iota {dimensions = array<i32: 0>} : vector<10240x80xi32>
    %iota3A_35 = tpu.iota {dimensions = array<i32: 1>} : vector<10240x80xi32>
    %shift_right_logical3A = arith.constant 7 : i32
    %shift_right_logical3A_36 = vector.broadcast %shift_right_logical3A : i32 to vector<10240x80xi32>
    %shift_right_logical3A_37 = arith.shrui %iota3A, %shift_right_logical3A_36 : vector<10240x80xi32>
    %eq3A = arith.cmpi eq, %shift_right_logical3A_37, %iota3A_35 : vector<10240x80xi32>
    %jit3A = arith.constant 1.000000e+00 : f32
    %jit3A_38 = arith.constant 0.000000e+00 : f32
    %broadcast_in_dim3A_39 = vector.broadcast %jit3A : f32 to vector<10240x80xf32>
    %broadcast_in_dim3A_40 = vector.broadcast %jit3A_38 : f32 to vector<10240x80xf32>
    %select_n3A = arith.select %eq3A, %broadcast_in_dim3A_39, %broadcast_in_dim3A_40 : vector<10240x80xi1>, vector<10240x80xf32>
    %iota3A_41 = tpu.iota {dimensions = array<i32: 0>} : vector<10240x128xi32>
    %iota3A_42 = tpu.iota {dimensions = array<i32: 1>} : vector<10240x128xi32>
    %and3A = arith.constant 127 : i32
    %and3A_43 = vector.broadcast %and3A : i32 to vector<10240x128xi32>
    %and3A_44 = arith.andi %iota3A_41, %and3A_43 : vector<10240x128xi32>
    %eq3A_45 = arith.cmpi eq, %and3A_44, %iota3A_42 : vector<10240x128xi32>
    %jit3A_46 = arith.constant 1.000000e+00 : f32
    %jit3A_47 = arith.constant 0.000000e+00 : f32
    %broadcast_in_dim3A_48 = vector.broadcast %jit3A_46 : f32 to vector<10240x128xf32>
    %broadcast_in_dim3A_49 = vector.broadcast %jit3A_47 : f32 to vector<10240x128xf32>
    %select_n3A_50 = arith.select %eq3A_45, %broadcast_in_dim3A_48, %broadcast_in_dim3A_49 : vector<10240x128xi1>, vector<10240x128xf32>
    %dot_general3A_51 = arith.constant dense<0.000000e+00> : vector<10240x128xf32>
    %dot_general3A_52 = tpu.matmul %select_n3A, %add3A_34, %dot_general3A_51 {dimension_numbers = #tpu.dot_dimension_numbers<[1], [0], [0], [1], [0, 0, 1, 1], [], []>, transpose_lhs_hint = false} : vector<10240x80xf32>, vector<80x128xf32>, vector<10240x128xf32> -> vector<10240x128xf32>
    %mul3A = arith.mulf %dot_general3A_52, %select_n3A_50 : vector<10240x128xf32>
    %reduce_sum3A = arith.constant dense<0.000000e+00> : vector<10240xf32>
    %reduce_sum3A_53 = vector.multi_reduction <add>, %mul3A, %reduce_sum3A [1] : vector<10240x128xf32> to vector<10240xf32>
    %broadcast_in_dim3A_54 = vector.shape_cast %reduce_sum3A_53 : vector<10240xf32> to vector<10240x1xf32>
    %slice3A = vector.extract_strided_slice %broadcast_in_dim3A_54 {offsets = [0, 0], sizes = [10000, 1], strides = [1, 1]} : vector<10240x1xf32> to vector<10000x1xf32>
    %max3A_55 = arith.constant 1.000000e+00 : f32
    %max3A_56 = vector.broadcast %max3A_55 : f32 to vector<10000x1xf32>
    %max3A_57 = arith.maximumf %slice3A, %max3A_56 : vector<10000x1xf32>
    %rsqrt3A = math.rsqrt %max3A_57 : vector<10000x1xf32>
    %mul3A_58 = arith.constant 5.000000e-01 : f32
    %mul3A_59 = vector.broadcast %mul3A_58 : f32 to vector<10000x1xf32>
    %mul3A_60 = arith.mulf %mul3A_59, %max3A_57 : vector<10000x1xf32>
    %mul3A_61 = arith.mulf %mul3A_60, %rsqrt3A : vector<10000x1xf32>
    %mul3A_62 = arith.mulf %mul3A_61, %rsqrt3A : vector<10000x1xf32>
    %sub3A = arith.constant 1.500000e+00 : f32
    %sub3A_63 = vector.broadcast %sub3A : f32 to vector<10000x1xf32>
    %sub3A_64 = arith.subf %sub3A_63, %mul3A_62 : vector<10000x1xf32>
    %mul3A_65 = arith.mulf %rsqrt3A, %sub3A_64 : vector<10000x1xf32>
    %mul3A_66 = vector.broadcast %mul3A_65 : vector<10000x1xf32> to vector<10000x64xf32>
    %mul3A_67 = arith.mulf %max3A_23, %mul3A_66 : vector<10000x64xf32>
    %swap3A = arith.constant 0 : index
    %swap3A_68 = arith.constant 0 : index
    %swap3A_69 = vector.load %arg6[%swap3A, %swap3A_68] : memref<10000x128xf32, #tpu.memory_space<vmem>>, vector<10000x64xf32>
    tpu.vector_store %arg6[%swap3A, %swap3A_68], %mul3A_67 {strides = array<i32>} : memref<10000x128xf32, #tpu.memory_space<vmem>>, vector<10000x64xf32>,
    %broadcast_in_dim3A_70 = arith.constant 0.000000e+00 : f32
    %broadcast_in_dim3A_71 = vector.broadcast %broadcast_in_dim3A_70 : f32 to vector<10000x64xf32>
    %swap3A_72 = arith.constant 0 : index
    %swap3A_73 = arith.constant 64 : index
    %swap3A_74 = vector.load %arg6[%swap3A_72, %swap3A_73] : memref<10000x128xf32, #tpu.memory_space<vmem>>, vector<10000x64xf32>
    tpu.vector_store %arg6[%swap3A_72, %swap3A_73], %broadcast_in_dim3A_71 {strides = array<i32>} : memref<10000x128xf32, #tpu.memory_space<vmem>>, vector<10000x64xf32>,
    %broadcast_in_dim3A_75 = arith.constant 1.000000e+00 : f32
    %broadcast_in_dim3A_76 = vector.broadcast %broadcast_in_dim3A_75 : f32 to vector<10000x1xf32>
    %swap3A_77 = arith.constant 0 : index
    %swap3A_78 = arith.constant 127 : index
    %swap3A_79 = vector.load %arg6[%swap3A_77, %swap3A_78] : memref<10000x128xf32, #tpu.memory_space<vmem>>, vector<10000x1xf32>
    tpu.vector_store %arg6[%swap3A_77, %swap3A_78], %broadcast_in_dim3A_76 {strides = array<i32>} : memref<10000x128xf32, #tpu.memory_space<vmem>>, vector<10000x1xf32>,
    %swap3A_80 = arith.constant 0 : index
    %swap3A_81 = arith.constant 0 : index
    %swap3A_82 = vector.load %arg7[%swap3A_80, %swap3A_81] : memref<10000x1xf32, #tpu.memory_space<vmem>>, vector<10000x1xf32>
    tpu.vector_store %arg7[%swap3A_80, %swap3A_81], %mul3A_65 {strides = array<i32>} : memref<10000x1xf32, #tpu.memory_space<vmem>>, vector<10000x1xf32>,
    return
  }
}

module attributes {stable_mosaic.version = 14 : i64} {
  func.func @_tc2_body(%arg0: memref<2x5120x128xf32, #tpu.memory_space<vmem>>, %arg1: memref<64x128xf32, #tpu.memory_space<vmem>>, %arg2: memref<128xf32, #tpu.memory_space<vmem>>, %arg3: memref<128xf32, #tpu.memory_space<vmem>>, %arg4: memref<128xf32, #tpu.memory_space<vmem>>, %arg5: memref<10000x1xf32, #tpu.memory_space<vmem>>, %arg6: memref<10000x128xf32, #tpu.memory_space<vmem>>, %arg7: memref<10000x1xf32, #tpu.memory_space<vmem>>) attributes {dimension_semantics = [], scalar_prefetch = 0 : i64, scratch_operands = 0 : i64, tpu.core_type = #tpu.core_type<tc>} {
    %get3A = arith.constant 0 : index
    %get3A_0 = arith.constant 0 : index
    %get3A_1 = arith.constant 127 : index
    %get3A_2 = vector.load %arg0[%get3A, %get3A_0, %get3A_1] : memref<2x5120x128xf32, #tpu.memory_space<vmem>>, vector<1x5120x1xf32>
    %get3A_3 = vector.shape_cast %get3A_2 : vector<1x5120x1xf32> to vector<5120x1xf32>
    %get3A_4 = arith.constant 1 : index
    %get3A_5 = arith.constant 0 : index
    %get3A_6 = arith.constant 127 : index
    %get3A_7 = vector.load %arg0[%get3A_4, %get3A_5, %get3A_6] : memref<2x5120x128xf32, #tpu.memory_space<vmem>>, vector<1x4880x1xf32>
    %get3A_8 = vector.shape_cast %get3A_7 : vector<1x4880x1xf32> to vector<4880x1xf32>
    %concatenate3A = tpu.concatenate %get3A_3, %get3A_8 in 0 : vector<5120x1xf32>, vector<4880x1xf32> -> vector<10000x1xf32>
    %max3A = arith.constant 1.000000e+00 : f32
    %max3A_9 = vector.broadcast %max3A : f32 to vector<10000x1xf32>
    %max3A_10 = arith.maximumf %concatenate3A, %max3A_9 : vector<10000x1xf32>
    %rsqrt3A = math.rsqrt %max3A_10 : vector<10000x1xf32>
    %mul3A = arith.constant 5.000000e-01 : f32
    %mul3A_11 = vector.broadcast %mul3A : f32 to vector<10000x1xf32>
    %mul3A_12 = arith.mulf %mul3A_11, %max3A_10 : vector<10000x1xf32>
    %mul3A_13 = arith.mulf %mul3A_12, %rsqrt3A : vector<10000x1xf32>
    %mul3A_14 = arith.mulf %mul3A_13, %rsqrt3A : vector<10000x1xf32>
    %sub3A = arith.constant 1.500000e+00 : f32
    %sub3A_15 = vector.broadcast %sub3A : f32 to vector<10000x1xf32>
    %sub3A_16 = arith.subf %sub3A_15, %mul3A_14 : vector<10000x1xf32>
    %mul3A_17 = arith.mulf %rsqrt3A, %sub3A_16 : vector<10000x1xf32>
    %get3A_18 = arith.constant 0 : index
    %get3A_19 = arith.constant 0 : index
    %get3A_20 = arith.constant 0 : index
    %get3A_21 = vector.load %arg0[%get3A_18, %get3A_19, %get3A_20] : memref<2x5120x128xf32, #tpu.memory_space<vmem>>, vector<1x5120x64xf32>
    %get3A_22 = vector.shape_cast %get3A_21 : vector<1x5120x64xf32> to vector<5120x64xf32>
    %get3A_23 = arith.constant 1 : index
    %get3A_24 = arith.constant 0 : index
    %get3A_25 = arith.constant 0 : index
    %get3A_26 = vector.load %arg0[%get3A_23, %get3A_24, %get3A_25] : memref<2x5120x128xf32, #tpu.memory_space<vmem>>, vector<1x4880x64xf32>
    %get3A_27 = vector.shape_cast %get3A_26 : vector<1x4880x64xf32> to vector<4880x64xf32>
    %concatenate3A_28 = tpu.concatenate %get3A_22, %get3A_27 in 0 : vector<5120x64xf32>, vector<4880x64xf32> -> vector<10000x64xf32>
    %mul3A_29 = vector.broadcast %mul3A_17 : vector<10000x1xf32> to vector<10000x64xf32>
    %mul3A_30 = arith.mulf %concatenate3A_28, %mul3A_29 : vector<10000x64xf32>
    %get3A_31 = arith.constant 0 : index
    %get3A_32 = arith.constant 0 : index
    %get3A_33 = vector.load %arg1[%get3A_31, %get3A_32] : memref<64x128xf32, #tpu.memory_space<vmem>>, vector<64x128xf32>
    %dot_general3A = arith.constant dense<0.000000e+00> : vector<10000x128xf32>
    %dot_general3A_34 = tpu.matmul %mul3A_30, %get3A_33, %dot_general3A {dimension_numbers = #tpu.dot_dimension_numbers<[1], [0], [0], [1], [0, 0, 1, 1], [], []>, transpose_lhs_hint = false} : vector<10000x64xf32>, vector<64x128xf32>, vector<10000x128xf32> -> vector<10000x128xf32>
    %get3A_35 = arith.constant 0 : index
    %get3A_36 = vector.load %arg2[%get3A_35] : memref<128xf32, #tpu.memory_space<vmem>>, vector<128xf32>
    %broadcast_in_dim3A = vector.shape_cast %get3A_36 : vector<128xf32> to vector<1x128xf32>
    %add3A = vector.broadcast %broadcast_in_dim3A : vector<1x128xf32> to vector<10000x128xf32>
    %add3A_37 = arith.addf %dot_general3A_34, %add3A : vector<10000x128xf32>
    %reduce_sum3A = arith.constant dense<0.000000e+00> : vector<128xf32>
    %reduce_sum3A_38 = vector.multi_reduction <add>, %add3A_37, %reduce_sum3A [0] : vector<10000x128xf32> to vector<128xf32>
    %broadcast_in_dim3A_39 = vector.shape_cast %reduce_sum3A_38 : vector<128xf32> to vector<1x128xf32>
    %div3A = arith.constant 1.000000e+04 : f32
    %div3A_40 = vector.broadcast %div3A : f32 to vector<1x128xf32>
    %div3A_41 = arith.divf %broadcast_in_dim3A_39, %div3A_40 : vector<1x128xf32>
    %sub3A_42 = vector.broadcast %div3A_41 : vector<1x128xf32> to vector<10000x128xf32>
    %sub3A_43 = arith.subf %add3A_37, %sub3A_42 : vector<10000x128xf32>
    %integer_pow3A = arith.mulf %sub3A_43, %sub3A_43 : vector<10000x128xf32>
    %reduce_sum3A_44 = arith.constant dense<0.000000e+00> : vector<128xf32>
    %reduce_sum3A_45 = vector.multi_reduction <add>, %integer_pow3A, %reduce_sum3A_44 [0] : vector<10000x128xf32> to vector<128xf32>
    %broadcast_in_dim3A_46 = vector.shape_cast %reduce_sum3A_45 : vector<128xf32> to vector<1x128xf32>
    %div3A_47 = arith.constant 1.000000e+04 : f32
    %div3A_48 = vector.broadcast %div3A_47 : f32 to vector<1x128xf32>
    %div3A_49 = arith.divf %broadcast_in_dim3A_46, %div3A_48 : vector<1x128xf32>
    %sub3A_50 = vector.broadcast %div3A_41 : vector<1x128xf32> to vector<10000x128xf32>
    %sub3A_51 = arith.subf %add3A_37, %sub3A_50 : vector<10000x128xf32>
    %add3A_52 = arith.constant 9.99999974E-6 : f32
    %add3A_53 = vector.broadcast %add3A_52 : f32 to vector<1x128xf32>
    %add3A_54 = arith.addf %div3A_49, %add3A_53 : vector<1x128xf32>
    %rsqrt3A_55 = math.rsqrt %add3A_54 : vector<1x128xf32>
    %mul3A_56 = arith.constant 5.000000e-01 : f32
    %mul3A_57 = vector.broadcast %mul3A_56 : f32 to vector<1x128xf32>
    %mul3A_58 = arith.mulf %mul3A_57, %add3A_54 : vector<1x128xf32>
    %mul3A_59 = arith.mulf %mul3A_58, %rsqrt3A_55 : vector<1x128xf32>
    %mul3A_60 = arith.mulf %mul3A_59, %rsqrt3A_55 : vector<1x128xf32>
    %sub3A_61 = arith.constant 1.500000e+00 : f32
    %sub3A_62 = vector.broadcast %sub3A_61 : f32 to vector<1x128xf32>
    %sub3A_63 = arith.subf %sub3A_62, %mul3A_60 : vector<1x128xf32>
    %mul3A_64 = arith.mulf %rsqrt3A_55, %sub3A_63 : vector<1x128xf32>
    %mul3A_65 = vector.broadcast %mul3A_64 : vector<1x128xf32> to vector<10000x128xf32>
    %mul3A_66 = arith.mulf %sub3A_51, %mul3A_65 : vector<10000x128xf32>
    %get3A_67 = arith.constant 0 : index
    %get3A_68 = vector.load %arg3[%get3A_67] : memref<128xf32, #tpu.memory_space<vmem>>, vector<128xf32>
    %broadcast_in_dim3A_69 = vector.shape_cast %get3A_68 : vector<128xf32> to vector<1x128xf32>
    %mul3A_70 = vector.broadcast %broadcast_in_dim3A_69 : vector<1x128xf32> to vector<10000x128xf32>
    %mul3A_71 = arith.mulf %mul3A_66, %mul3A_70 : vector<10000x128xf32>
    %get3A_72 = arith.constant 0 : index
    %get3A_73 = vector.load %arg4[%get3A_72] : memref<128xf32, #tpu.memory_space<vmem>>, vector<128xf32>
    %broadcast_in_dim3A_74 = vector.shape_cast %get3A_73 : vector<128xf32> to vector<1x128xf32>
    %add3A_75 = vector.broadcast %broadcast_in_dim3A_74 : vector<1x128xf32> to vector<10000x128xf32>
    %add3A_76 = arith.addf %mul3A_71, %add3A_75 : vector<10000x128xf32>
    %max3A_77 = arith.constant 0.000000e+00 : f32
    %max3A_78 = vector.broadcast %max3A_77 : f32 to vector<10000x128xf32>
    %max3A_79 = arith.maximumf %add3A_76, %max3A_78 : vector<10000x128xf32>
    %get3A_80 = arith.constant 0 : index
    %get3A_81 = arith.constant 0 : index
    %get3A_82 = vector.load %arg5[%get3A_80, %get3A_81] : memref<10000x1xf32, #tpu.memory_space<vmem>>, vector<10000x1xf32>
    %mul3A_83 = vector.broadcast %get3A_82 : vector<10000x1xf32> to vector<10000x128xf32>
    %mul3A_84 = arith.mulf %max3A_79, %mul3A_83 : vector<10000x128xf32>
    %swap3A = arith.constant 0 : index
    %swap3A_85 = arith.constant 0 : index
    %swap3A_86 = vector.load %arg6[%swap3A, %swap3A_85] : memref<10000x128xf32, #tpu.memory_space<vmem>>, vector<10000x128xf32>
    tpu.vector_store %arg6[%swap3A, %swap3A_85], %mul3A_84 {strides = array<i32>} : memref<10000x128xf32, #tpu.memory_space<vmem>>, vector<10000x128xf32>,
    %swap3A_87 = arith.constant 0 : index
    %swap3A_88 = arith.constant 0 : index
    %swap3A_89 = vector.load %arg7[%swap3A_87, %swap3A_88] : memref<10000x1xf32, #tpu.memory_space<vmem>>, vector<10000x1xf32>
    tpu.vector_store %arg7[%swap3A_87, %swap3A_88], %mul3A_17 {strides = array<i32>} : memref<10000x1xf32, #tpu.memory_space<vmem>>, vector<10000x1xf32>,
    return
  }
}

module attributes {stable_mosaic.version = 14 : i64} {
  func.func @_tc3_body(%arg0: memref<2x5120x128xf32, #tpu.memory_space<vmem>>, %arg1: memref<128x256xf32, #tpu.memory_space<vmem>>, %arg2: memref<256xf32, #tpu.memory_space<vmem>>, %arg3: memref<256xf32, #tpu.memory_space<vmem>>, %arg4: memref<256xf32, #tpu.memory_space<vmem>>, %arg5: memref<10000x1xf32, #tpu.memory_space<vmem>>, %arg6: memref<256x32xf32, #tpu.memory_space<vmem>>, %arg7: memref<32xf32, #tpu.memory_space<vmem>>, %arg8: memref<32x1xf32, #tpu.memory_space<vmem>>, %arg9: memref<1xf32, #tpu.memory_space<vmem>>, %arg10: memref<1x1xf32, #tpu.memory_space<vmem>>) attributes {dimension_semantics = [], scalar_prefetch = 0 : i64, scratch_operands = 0 : i64, tpu.core_type = #tpu.core_type<tc>} {
    %get3A = arith.constant 0 : index
    %get3A_0 = arith.constant 0 : index
    %get3A_1 = arith.constant 0 : index
    %get3A_2 = vector.load %arg0[%get3A, %get3A_0, %get3A_1] : memref<2x5120x128xf32, #tpu.memory_space<vmem>>, vector<1x5120x128xf32>
    %get3A_3 = vector.shape_cast %get3A_2 : vector<1x5120x128xf32> to vector<5120x128xf32>
    %get3A_4 = arith.constant 1 : index
    %get3A_5 = arith.constant 0 : index
    %get3A_6 = arith.constant 0 : index
    %get3A_7 = vector.load %arg0[%get3A_4, %get3A_5, %get3A_6] : memref<2x5120x128xf32, #tpu.memory_space<vmem>>, vector<1x4880x128xf32>
    %get3A_8 = vector.shape_cast %get3A_7 : vector<1x4880x128xf32> to vector<4880x128xf32>
    %concatenate3A = tpu.concatenate %get3A_3, %get3A_8 in 0 : vector<5120x128xf32>, vector<4880x128xf32> -> vector<10000x128xf32>
    %get3A_9 = arith.constant 0 : index
    %get3A_10 = arith.constant 0 : index
    %get3A_11 = vector.load %arg5[%get3A_9, %get3A_10] : memref<10000x1xf32, #tpu.memory_space<vmem>>, vector<10000x1xf32>
    %mul3A = vector.broadcast %get3A_11 : vector<10000x1xf32> to vector<10000x128xf32>
    %mul3A_12 = arith.mulf %concatenate3A, %mul3A : vector<10000x128xf32>
    %get3A_13 = arith.constant 0 : index
    %get3A_14 = arith.constant 0 : index
    %get3A_15 = vector.load %arg1[%get3A_13, %get3A_14] : memref<128x256xf32, #tpu.memory_space<vmem>>, vector<128x256xf32>
    %dot_general3A = arith.constant dense<0.000000e+00> : vector<10000x256xf32>
    %dot_general3A_16 = tpu.matmul %mul3A_12, %get3A_15, %dot_general3A {dimension_numbers = #tpu.dot_dimension_numbers<[1], [0], [0], [1], [0, 0, 1, 1], [], []>, transpose_lhs_hint = false} : vector<10000x128xf32>, vector<128x256xf32>, vector<10000x256xf32> -> vector<10000x256xf32>
    %get3A_17 = arith.constant 0 : index
    %get3A_18 = vector.load %arg2[%get3A_17] : memref<256xf32, #tpu.memory_space<vmem>>, vector<256xf32>
    %broadcast_in_dim3A = vector.shape_cast %get3A_18 : vector<256xf32> to vector<1x256xf32>
    %add3A = vector.broadcast %broadcast_in_dim3A : vector<1x256xf32> to vector<10000x256xf32>
    %add3A_19 = arith.addf %dot_general3A_16, %add3A : vector<10000x256xf32>
    %reduce_sum3A = arith.constant dense<0.000000e+00> : vector<256xf32>
    %reduce_sum3A_20 = vector.multi_reduction <add>, %add3A_19, %reduce_sum3A [0] : vector<10000x256xf32> to vector<256xf32>
    %broadcast_in_dim3A_21 = vector.shape_cast %reduce_sum3A_20 : vector<256xf32> to vector<1x256xf32>
    %div3A = arith.constant 1.000000e+04 : f32
    %div3A_22 = vector.broadcast %div3A : f32 to vector<1x256xf32>
    %div3A_23 = arith.divf %broadcast_in_dim3A_21, %div3A_22 : vector<1x256xf32>
    %sub3A = vector.broadcast %div3A_23 : vector<1x256xf32> to vector<10000x256xf32>
    %sub3A_24 = arith.subf %add3A_19, %sub3A : vector<10000x256xf32>
    %integer_pow3A = arith.mulf %sub3A_24, %sub3A_24 : vector<10000x256xf32>
    %reduce_sum3A_25 = arith.constant dense<0.000000e+00> : vector<256xf32>
    %reduce_sum3A_26 = vector.multi_reduction <add>, %integer_pow3A, %reduce_sum3A_25 [0] : vector<10000x256xf32> to vector<256xf32>
    %broadcast_in_dim3A_27 = vector.shape_cast %reduce_sum3A_26 : vector<256xf32> to vector<1x256xf32>
    %div3A_28 = arith.constant 1.000000e+04 : f32
    %div3A_29 = vector.broadcast %div3A_28 : f32 to vector<1x256xf32>
    %div3A_30 = arith.divf %broadcast_in_dim3A_27, %div3A_29 : vector<1x256xf32>
    %sub3A_31 = vector.broadcast %div3A_23 : vector<1x256xf32> to vector<10000x256xf32>
    %sub3A_32 = arith.subf %add3A_19, %sub3A_31 : vector<10000x256xf32>
    %add3A_33 = arith.constant 9.99999974E-6 : f32
    %add3A_34 = vector.broadcast %add3A_33 : f32 to vector<1x256xf32>
    %add3A_35 = arith.addf %div3A_30, %add3A_34 : vector<1x256xf32>
    %rsqrt3A = math.rsqrt %add3A_35 : vector<1x256xf32>
    %mul3A_36 = arith.constant 5.000000e-01 : f32
    %mul3A_37 = vector.broadcast %mul3A_36 : f32 to vector<1x256xf32>
    %mul3A_38 = arith.mulf %mul3A_37, %add3A_35 : vector<1x256xf32>
    %mul3A_39 = arith.mulf %mul3A_38, %rsqrt3A : vector<1x256xf32>
    %mul3A_40 = arith.mulf %mul3A_39, %rsqrt3A : vector<1x256xf32>
    %sub3A_41 = arith.constant 1.500000e+00 : f32
    %sub3A_42 = vector.broadcast %sub3A_41 : f32 to vector<1x256xf32>
    %sub3A_43 = arith.subf %sub3A_42, %mul3A_40 : vector<1x256xf32>
    %mul3A_44 = arith.mulf %rsqrt3A, %sub3A_43 : vector<1x256xf32>
    %mul3A_45 = vector.broadcast %mul3A_44 : vector<1x256xf32> to vector<10000x256xf32>
    %mul3A_46 = arith.mulf %sub3A_32, %mul3A_45 : vector<10000x256xf32>
    %get3A_47 = arith.constant 0 : index
    %get3A_48 = vector.load %arg3[%get3A_47] : memref<256xf32, #tpu.memory_space<vmem>>, vector<256xf32>
    %broadcast_in_dim3A_49 = vector.shape_cast %get3A_48 : vector<256xf32> to vector<1x256xf32>
    %mul3A_50 = vector.broadcast %broadcast_in_dim3A_49 : vector<1x256xf32> to vector<10000x256xf32>
    %mul3A_51 = arith.mulf %mul3A_46, %mul3A_50 : vector<10000x256xf32>
    %get3A_52 = arith.constant 0 : index
    %get3A_53 = vector.load %arg4[%get3A_52] : memref<256xf32, #tpu.memory_space<vmem>>, vector<256xf32>
    %broadcast_in_dim3A_54 = vector.shape_cast %get3A_53 : vector<256xf32> to vector<1x256xf32>
    %add3A_55 = vector.broadcast %broadcast_in_dim3A_54 : vector<1x256xf32> to vector<10000x256xf32>
    %add3A_56 = arith.addf %mul3A_51, %add3A_55 : vector<10000x256xf32>
    %max3A = arith.constant 0.000000e+00 : f32
    %max3A_57 = vector.broadcast %max3A : f32 to vector<10000x256xf32>
    %max3A_58 = arith.maximumf %add3A_56, %max3A_57 : vector<10000x256xf32>
    %reduce_sum3A_59 = arith.constant dense<0.000000e+00> : vector<256xf32>
    %reduce_sum3A_60 = vector.multi_reduction <add>, %max3A_58, %reduce_sum3A_59 [0] : vector<10000x256xf32> to vector<256xf32>
    %broadcast_in_dim3A_61 = vector.shape_cast %reduce_sum3A_60 : vector<256xf32> to vector<1x256xf32>
    %div3A_62 = arith.constant 1.000000e+04 : f32
    %div3A_63 = vector.broadcast %div3A_62 : f32 to vector<1x256xf32>
    %div3A_64 = arith.divf %broadcast_in_dim3A_61, %div3A_63 : vector<1x256xf32>
    %get3A_65 = arith.constant 0 : index
    %get3A_66 = arith.constant 0 : index
    %get3A_67 = vector.load %arg6[%get3A_65, %get3A_66] : memref<256x32xf32, #tpu.memory_space<vmem>>, vector<256x32xf32>
    %dot_general3A_68 = arith.constant dense<0.000000e+00> : vector<1x32xf32>
    %dot_general3A_69 = tpu.matmul %div3A_64, %get3A_67, %dot_general3A_68 {dimension_numbers = #tpu.dot_dimension_numbers<[1], [0], [0], [1], [0, 0, 1, 1], [], []>, transpose_lhs_hint = false} : vector<1x256xf32>, vector<256x32xf32>, vector<1x32xf32> -> vector<1x32xf32>
    %get3A_70 = arith.constant 0 : index
    %get3A_71 = vector.load %arg7[%get3A_70] : memref<32xf32, #tpu.memory_space<vmem>>, vector<32xf32>
    %broadcast_in_dim3A_72 = vector.shape_cast %get3A_71 : vector<32xf32> to vector<1x32xf32>
    %add3A_73 = arith.addf %dot_general3A_69, %broadcast_in_dim3A_72 : vector<1x32xf32>
    %max3A_74 = arith.constant 0.000000e+00 : f32
    %max3A_75 = vector.broadcast %max3A_74 : f32 to vector<1x32xf32>
    %max3A_76 = arith.maximumf %add3A_73, %max3A_75 : vector<1x32xf32>
    %get3A_77 = arith.constant 0 : index
    %get3A_78 = arith.constant 0 : index
    %get3A_79 = vector.load %arg8[%get3A_77, %get3A_78] : memref<32x1xf32, #tpu.memory_space<vmem>>, vector<32x1xf32>
    %dot_general3A_80 = arith.constant dense<0.000000e+00> : vector<1x1xf32>
    %dot_general3A_81 = tpu.matmul %max3A_76, %get3A_79, %dot_general3A_80 {dimension_numbers = #tpu.dot_dimension_numbers<[1], [0], [0], [1], [0, 0, 1, 1], [], []>, transpose_lhs_hint = false} : vector<1x32xf32>, vector<32x1xf32>, vector<1x1xf32> -> vector<1x1xf32>
    %get3A_82 = arith.constant 0 : index
    %get3A_83 = vector.load %arg9[%get3A_82] : memref<1xf32, #tpu.memory_space<vmem>>, vector<1xf32>
    %broadcast_in_dim3A_84 = vector.shape_cast %get3A_83 : vector<1xf32> to vector<1x1xf32>
    %add3A_85 = arith.addf %dot_general3A_81, %broadcast_in_dim3A_84 : vector<1x1xf32>
    %swap3A = arith.constant 0 : index
    %swap3A_86 = arith.constant 0 : index
    %swap3A_87 = vector.load %arg10[%swap3A, %swap3A_86] : memref<1x1xf32, #tpu.memory_space<vmem>>, vector<1x1xf32>
    tpu.vector_store %arg10[%swap3A, %swap3A_86], %add3A_85 {strides = array<i32>} : memref<1x1xf32, #tpu.memory_space<vmem>>, vector<1x1xf32>,
    return
  }
}

</mosaic_0001>

<sc_bundles>
// kernel: kernel.11.cloned.1.call-start
scs
__scs_entry_jumppad:
0x0: {  	(pc) =	sbr.rel $0x88, $3  }
0x1: {  	(tag) =	ssettag $0x0;
	lr =	simm.s32 $0x1  }
0x2: {  	[smem:$0x3F8F] =	sst lr;
	_ =	strace $0xD0000000  }
0x3: {  	_ = 	snop  }
0x4: {  	_ = 	snop  }
0x5: {  	_ = 	snop  }
0x6: {  	_ = 	snop  }
0x7: {  	_ = 	snop  }
__scs_overlays_trampoline_lowered:
0x8: {  	[smem:$0x3F9E] =	sst s0  }
0x9: {  	[smem:$0x3F9F] =	sst s1  }
0xa: {  	[smem:$0x3FA0] =	sst s2  }
0xb: {  	[smem:$0x3FA1] =	sst s3  }
0xc: {  	[smem:$0x3FA2] =	sst s4  }
0xd: {  	[smem:$0x3FA3] =	sst s5  }
0xe: {  	[smem:$0x3FA4] =	sst s6  }
0xf: {  	[smem:$0x3FA5] =	sst s7  }
0x10: {  	[smem:$0x3FA6] =	sst s8  }
0x11: {  	[smem:$0x3FA7] =	sst s9;
	s0 =	simm.s32 @!p0 $0x0  }
0x12: {  	s1 =	sld [smem:$0x3F8D];
	s0 =	simm.s32 @p0 $0x1  }
0x13: {  	[smem:$0x3FA8] =	sst s0;
	s0 =	simm.s32 @!p1 $0x0  }
0x14: {  	s2 =	sld [smem:$0x3F8C];
	s0 =	simm.s32 @p1 $0x1  }
0x15: {  	[smem:$0x3FA9] =	sst s0;
	s0 =	simm.s32 @!p2 $0x0  }
0x16: {  	s3 =	sld [smem:$0x3FDB];
	s0 =	simm.s32 @p2 $0x1  }
0x17: {  	s4 =	simm.s32 $0x1BF5;
	[smem:$0x3FAB] =	sst s0  }
0x18: {  	s0 =	sld [smem:$0x3F8E];
	_ =	swait.ge [sflag:s4], $0x0  }
0x19: {  	s7 =	sld [smem:$0x3F8F]  }
0x1a: {  	s8 =	sadd.s32 $0xFFFFE003, lr  }
0x1b: {  	s9 =	sadd.s32 $0xFFFFFEF7, lr;
	s5 =	simm.s32 $0xFFFFFFFF;
	p2 =	slt.u32 s8, $0xFFFFF086  }
0x1c: {  	p1 =	slt.u32 s9, $0xF7A;
	s5 =	simm.s32 @!p2 $0x0  }
0x1d: {  	s5 =	simm.s32 @p1 $0x1;
	p0 =	seq.s32 s7, s2  }
0x1e: {  	s7 =	smul.u32 @!p0 $0xF7A, s2;
	p2 =	seq.s32 @!p0 s5, $0x0  }
0x1f: {  	s9 =	smul.u32 $0xF7A, s1;
	s8 =	simm.s32 @!p0 $0x1BF5;
	p2 =	por !p2, p0  }
0x20: {  	[sflag:s8] =	ssyncset.s32 @!p0 $0xFFFFF086;
	s6 =	sadd.s32 @!p0 s3, s7;
	s7 =	simm.s32 @!p0 $0x108  }
0x21: {  	s3 =	sadd.s32 s3, s9;
	s6 =	sadd.s32 @!p0 $0x88, s6;
	s7 =	simm.s32 @p2 $0x1082  }
0x22: {  	[simem:s7], [sflag:s8] =	dma.local @!p0 [hbm:s6], $0xF7A  }
0x23: {  	s9 =	sor.u32 $0xD0000000, s2;
	s6 =	simm.s32 $0x108;
	_ =	swait.ge @!p0 [sflag:s8], $0x0  }
0x24: {  	s3 =	sadd.s32 $0x88, s3;
	s6 =	simm.s32 @!p1 $0x1082;
	[sflag:s4] =	ssyncset.s32 $0xFFFFF086  }
0x25: {  	[simem:s6], [sflag:s4] =	dma.local [hbm:s3], $0xF7A  }
0x26: {  	[smem:$0x3F8F] =	sst s1;
	(tag) =	ssettag s2;
	_ =	strace s9  }
0x27: {  	s1 =	sld [smem:$0x3F9F]  }
0x28: {  	s2 =	sld [smem:$0x3FA0]  }
0x29: {  	s4 =	sld [smem:$0x3FA2]  }
0x2a: {  	p0 =	seq.s32 s5, $0x0;
	s5 =	sld [smem:$0x3FA3]  }
0x2b: {  	s6 =	sld [smem:$0x3FA4]  }
0x2c: {  	s7 =	sld [smem:$0x3FA5]  }
0x2d: {  	s3 =	simm.s32 $0x108;
	s8 =	sld [smem:$0x3FA6]  }
0x2e: {  	s3 =	simm.s32 @!p0 $0x1082;
	s9 =	sld [smem:$0x3FA7]  }
0x2f: {  	lr =	sadd.s32 s0, s3;
	s0 =	sld [smem:$0x3F9E]  }
0x30: {  	s3 =	sld [smem:$0x3FA1]  }
0x31: {  	[smem:$0x3FAA] =	sst s10  }
0x32: {  	s10 =	sld [smem:$0x3FA8];
	_ =	sdelay $0x3  }
0x33: {  	p0 =	seq.s32 s10, $0x1;
	s10 =	sld [smem:$0x3FAA];
	_ =	sdelay $0x3  }
0x34: {  	[smem:$0x3FAA] =	sst s10  }
0x35: {  	s10 =	sld [smem:$0x3FA9];
	_ =	sdelay $0x3  }
0x36: {  	p1 =	seq.s32 s10, $0x1;
	s10 =	sld [smem:$0x3FAA];
	_ =	sdelay $0x3  }
0x37: {  	[smem:$0x3FAA] =	sst s10  }
0x38: {  	s10 =	sld [smem:$0x3FAB]  }
0x39: {  	_ = 	snop;
	(pc) =	sbr.ind lr, $3  }
0x3a: {  	_ = 	snop  }
0x3b: {  	_ = 	snop  }
0x3c: {  	p2 =	seq.s32 s10, $0x1;
	s10 =	sld [smem:$0x3FAA]  }
0x3d: {  	_ =	shalt  }
0x3e: {  	_ =	shalt  }
0x3f: {  	_ =	shalt  }
0x40: {  	_ =	shalt  }
0x41: {  	_ =	shalt  }
0x42: {  	_ =	shalt  }
0x43: {  	_ =	shalt  }
0x44: {  	_ =	shalt  }
0x45: {  	_ =	shalt  }
0x46: {  	_ =	shalt  }
0x47: {  	_ =	shalt  }
0x48: {  	_ =	shalt  }
0x49: {  	_ =	shalt  }
0x4a: {  	_ =	shalt  }
0x4b: {  	_ =	shalt  }
0x4c: {  	_ =	shalt  }
0x4d: {  	_ =	shalt  }
0x4e: {  	_ =	shalt  }
0x4f: {  	_ =	shalt  }
0x50: {  	_ =	shalt  }
0x51: {  	_ =	shalt  }
0x52: {  	_ =	shalt  }
0x53: {  	_ =	shalt  }
0x54: {  	_ =	shalt  }
0x55: {  	_ =	shalt  }
0x56: {  	_ =	shalt  }
0x57: {  	_ =	shalt  }
0x58: {  	_ =	shalt  }
0x59: {  	_ =	shalt  }
0x5a: {  	_ =	shalt  }
0x5b: {  	_ =	shalt  }
0x5c: {  	_ =	shalt  }
0x5d: {  	_ =	shalt  }
0x5e: {  	_ =	shalt  }
0x5f: {  	_ =	shalt  }
0x60: {  	_ =	shalt  }
0x61: {  	_ =	shalt  }
0x62: {  	_ =	shalt  }
0x63: {  	_ =	shalt  }
0x64: {  	_ =	shalt  }
0x65: {  	_ =	shalt  }
0x66: {  	_ =	shalt  }
0x67: {  	_ =	shalt  }
0x68: {  	_ =	shalt  }
0x69: {  	_ =	shalt  }
0x6a: {  	_ =	shalt  }
0x6b: {  	_ =	shalt  }
0x6c: {  	_ =	shalt  }
0x6d: {  	_ =	shalt  }
0x6e: {  	_ =	shalt  }
0x6f: {  	_ =	shalt  }
0x70: {  	_ =	shalt  }
0x71: {  	_ =	shalt  }
0x72: {  	_ =	shalt  }
0x73: {  	_ =	shalt  }
0x74: {  	_ =	shalt  }
0x75: {  	_ =	shalt  }
0x76: {  	_ =	shalt  }
0x77: {  	_ =	shalt  }
0x78: {  	_ =	shalt  }
0x79: {  	_ =	shalt  }
0x7a: {  	_ =	shalt  }
0x7b: {  	_ =	shalt  }
0x7c: {  	_ =	shalt  }
0x7d: {  	_ =	shalt  }
0x7e: {  	_ =	shalt  }
0x7f: {  	_ =	shalt  }
0x80: {  	_ =	shalt  }
0x81: {  	_ =	shalt  }
0x82: {  	_ =	shalt  }
0x83: {  	_ =	shalt  }
0x84: {  	_ =	shalt  }
0x85: {  	_ =	shalt  }
0x86: {  	_ =	shalt  }
0x87: {  	_ =	shalt  }
.Lfunc_end0:
.L_simem_size_0:
called_computation.1_lowered:
.L_overlay_start_0:
0x88: {  	s2 =	sld [smem:$0x3FD9]  }
0x89: {  	s3 =	sld [smem:$0x3FFE];
	_ =	sdelay $0x1  }
0x8a: {  	s1 =	srdreg.scid  }
0x8b: {  	s0 =	sand.u32 $0x1, s1  }
0x8c: {  	s16 =	sshll.u32 s0, $0xA;
	s2 =	sadd.s32 s3, s2  }
0x8d: {  	s2 =	sadd.s32 s2, s16  }
0x8e: {  	[smem:$0x3FB6] =	sst s2  }
0x8f: {  	_ = 	snop  }
0x90: {  	(tm) =	ssettm $0x1  }
0x91: {  	s17 =	sld [smem:$0x3FFB];
	_ =	sdelay $0x3  }
0x92: {  	_ =	strace s17  }
0x93: {  	s2 =	sld [smem:$0x3FFC];
	_ =	sdelay $0x3  }
0x94: {  	_ =	strace s2  }
0x95: {  	s2 =	sld [smem:$0x3FFD];
	_ =	sdelay $0x3  }
0x96: {  	_ =	strace s2  }
0x97: {  	_ =	strace $0x8FFFFFFF  }
0x98: {  	s18 =	sld [smem:$0x3FDB];
	_ =	sdelay $0x1  }
0x99: {  	s19 =	simm.s32 $_scs_section_size  }
0x9a: {  	s4 =	simm.s32 $_size__tile_overlayer_lowered;
	s5 =	simm.s32 $_tile_overlayer_lowered  }
0x9b: {  	s22 =	simm.s32 $0x1BFF;
	s21 =	sshll.u32 s5, $0x1;
	s2 =	sadd.s32 s19, s18  }
0x9c: {  	s6 =	simm.s32 $0x0;
	s20 =	sshll.u32 s4, $0x1;
	s4 =	sadd.s32 s21, s2  }
0x9d: {  	[timem:s6], [sflag:s22] =	dma.local [hbm:s4], s20  }
0x9e: {  	_ =	swait.ge [sflag:s22], s20  }
0x9f: {  	s3 =	ssub.s32 $0x0, s20;
	[sflag:s22] =	ssyncset.done $0x0  }
0xa0: {  	[sflag:s22] =	ssyncadd.s32 s3;
	_ =	sdelay $0x1  }
0xa1: {  	s23 =	simm.s32 $0x1B8B  }
0xa2: {  	_ =	swait.ge [sflag:s23], $0x1  }
0xa3: {  	[sflag:s23] =	ssyncset.done $0x0  }
0xa4: {  	s25 =	simm.s32 $0x1B8E;
	s24 =	sld [smem:$0x3FFE];
	[sflag:s23] =	ssyncadd.s32 $0xFFFFFFFF  }
0xa5: {  	s26 =	simm.s32 $execute0_lowered;
	[smem:$0x3FD2] =	sst s25  }
0xa6: {  	s4 =	sshll.u32 s26, $0x1;
	_ =	strace $0x80000049;
	[dreg:$0x1] =	wrdreg $0xFFFFFFFF  }
0xa7: {  	s28 =	simm.s32 $_size_execute0_lowered;
	s2 =	sadd.s32 s2, s4;
	[dreg:$0x0] =	wrdreg $0x0  }
0xa8: {  	s4 =	sshll.u32 s28, $0x1;
	[dreg:$0x2] =	wrdreg s2  }
0xa9: {  	[dreg:$0x3] =	wrdreg s4  }
0xaa: {  	[dreg:$0x4] =	wrdreg $0xC0  }
0xab: {  	_ =	task [dreg:s6], $0x5FFFF  }
0xac: {  	[dreg:$0x1] =	wrdreg $0xFFFFFFFF  }
0xad: {  	[dreg:$0x0] =	wrdreg $0x60  }
0xae: {  	[dreg:$0x2] =	wrdreg s24  }
0xaf: {  	[dreg:$0x3] =	wrdreg $0x150000  }
0xb0: {  	[dreg:$0x4] =	wrdreg $0x9  }
0xb1: {  	_ =	task.clear_ibuf [dreg:s6], $0x5FFFF;
	_ =	strace $0x90000049  }
0xb2: {  	s29 =	simm.s32 $0x9;
	_ =	strace $0x8000004B  }
0xb3: {  	_ =	swait.ge [sflag:s29], $0x1  }
0xb4: {  	[sflag:s29] =	ssyncadd.s32 $0xFFFFFFFF  }
0xb5: {  	_ =	strace $0x9000004B  }
0xb6: {  	_ =	sfence  }
0xb7: {  	s30 =	sld [smem:$0x0];
	_ =	sdelay $0x2  }
0xb8: {  	s31 =	sshll.u32 s1, $0xD;
	s1 =	sshrl.u32 s1, $0x2  }
0xb9: {  	s3 =	sand.u32 $0x4000, s31;
	s1 =	sadd.s32 s1, s30  }
0xba: {  	s0 =	sor.u32 s3, s0;
	s1 =	sshll.u32 s1, $0x11  }
0xbb: {  	s0 =	sor.u32 s1, s0  }
0xbc: {  	s0 =	sadd.s32 $0x8F2B, s0  }
0xbd: {  	[sflag:s0] =	ssyncadd.remote.s32 $0x1  }
0xbe: {  	_ =	sfence.sel $0xFFFF  }
0xbf: {  	[dreg:$0x0] =	wrdreg $0xFFFFFFFF;
	(pc) =	sbr.abs _section_cstart, $3  }
0xc0: {  	[dreg:$0x1] =	wrdreg $0xFFFFFFFF  }
0xc1: {  	_ =	task.clear_ibuf [dreg:s6], $0x2FFFF;
	_ =	strace $0x9FFFFFFF  }
0xc2: {  	(tm) =	ssettm $0x7FFFFFFF  }
0xc3: {  	_ =	shalt  }
tec
execute0_lowered:
.L_overlay_start_1:
0x0: {  	(tag) =	ssettag $0x1  }
0x1: {  	s6 =	rddreg [dreg:$0x0]  }
0x2: {  	s1 =	rddreg [dreg:$0x1]  }
0x3: {  	s2 =	srdreg.scid;
	s0 =	rddreg [dreg:$0x2];
	s3 =	simm.s32 $0x0  }
0x4: {  	s15 =	simm.s32 $0x10000;
	s16 =	simm.s32 $0x12800;
	s17 =	simm.s32 $0x1  }
0x5: {  	s18 =	simm.s32 $0x2;
	s19 =	simm.s32 $0x7C80;
	s9 =	sand.u32 $0x1, s2  }
0x6: {  	s20 =	simm.s32 $0xFC00;
	s2 =	stileid.u32;
	s5 =	smul.u32 $0xA0000, s9  }
0x7: {  	s23 =	simm.s32 $0x0;
	[smem:$0x7FF] =	sst s3;
	s8 =	smul.u32 $0xA000, s2  }
0x8: {  	s4 =	sadd.s32 $0x34800, s6;
	s7 =	sshll.u32 s2, $0xC;
	s11 =	smul.u32 $0x29000, s2  }
0x9: {  	_ =	strace $0x8000004A;
	s28 =	ssub.s32 $0x2, s9;
	s14 =	smul.u32 $0x28000, s2  }
0xa: {  	s30 =	sshll.u32 s2, $0x6;
	s21 =	smul.u32 $0x1400, s9;
	s10 =	sadd.s32 s7, s6  }
0xb: {  	s12 =	sshrl.u32 s28, $0x1;
	s26 =	sadd.s32 s8, s5;
	s5 =	sadd.s32 $0x3800, s6  }
0xc: {  	s12 =	ssub.s32 s28, s12;
	s29 =	sshrl.u32 s11, $0x2;
	s8 =	sadd.s32 $0x24800, s10  }
0xd: {  	s31 =	sshrl.u32 s14, $0x2;
	s14 =	simm.s32 $0x50;
	v0 =	vmov s21;
	s21 =	simm.s32 $0xFC80  }
0xe: {  	s7 =	sshrl.u32 s26, $0x3;
	s11 =	sadd.s32 s29, s1;
	s22 =	sadd.s32 s31, s1  }
0xf: {  	s13 =	sadd.s32 s7, s6;
	s6 =	sor.u32 $0x1C03, s30;
	s7 =	sadd.s32 $0x14800, s10  }
0x10: {  	s10 =	smax.u32 s12, $0x1;
	s11 =	sshrl.u32 s11, $0x3;
	s12 =	simm.s32 $0x3  }
0x11: {  	s22 =	sshrl.u32 s22, $0x3;
	s9 =	sadd.s32 $0x5BA00, s13;
	s13 =	simm.s32 $0x8000  }
.LBB2_1:
0x12: {  	[spmem:s11], [sflag:s6] =	dma.local [hbm:s5], $0x1480  }
0x13: {  	_ =	swait.ge [sflag:s12], $0x1480  }
0x14: {  	[sflag:s12] =	ssyncset.done $0x0  }
0x15: {  	[sflag:s12] =	ssyncadd.s32 $0xFFFFEB80  }
0x16: {  	[tilespmem:s3], [sflag:$0x3] =	stream.linear.gather [hbm4b:s7+s3], $0x7D00, $0x38;
	[tilespmem:$0x1F400] =	vst v63  }
0x17: {  	_ =	swait.ge [sflag:s12], $0x7D00  }
0x18: {  	[sflag:s12] =	ssyncset.done $0x0  }
0x19: {  	[sflag:s12] =	ssyncadd.s32 $0xFFFF8300  }
0x1a: {  	[tilespmem:s13], [sflag:$0x3] =	stream.linear.gather [hbm4b:s8+s3], $0x7D00, $0x38;
	[tilespmem:$0x1F400] =	vst v63  }
0x1b: {  	_ =	swait.ge [sflag:s12], $0x7D00  }
0x1c: {  	[sflag:s12] =	ssyncset.done $0x0  }
0x1d: {  	s24 =	simm.s32 $0x0;
	[sflag:s12] =	ssyncadd.s32 $0xFFFF8300  }
0x1e: {  	v3 =	vld [tilespmem:s24+$0x8000]  }
0x1f: {  	v4 =	vld [tilespmem:s24+$0x8010]  }
0x20: {  	v2 =	vld [tilespmem:s24+$0x8020]  }
0x21: {  	s25 =	simm.s32 $0x200;
	v1 =	vld [tilespmem:s24+$0x8030]  }
.LBB2_2:
0x22: {  	p0 =	sne.s32 s25, $0x1F200;
	v5 =	vld [tilespmem:s24+$0x8040]  }
0x23: {  	v3 =	vsub.s32 v3, v0  }
0x24: {  	v3 =	vmin.u32 v3, $0x1400;
	v4 =	vsub.s32 v4, v0  }
.Ltmp0:
0x25: {  	s26 =	sshra.s32 s25, $0x2;
	[tilespmem:s24+$0x8000] =	vst v3;
	v4 =	vmin.u32 v4, $0x1400;
	v2 =	vsub.s32 v2, v0;
	(pc) =	sbr.rel @p0 .LBB2_2-.Ltmp0, $4  }
0x26: {  	v3 =	vld [tilespmem:s26+$0x8000];
	[tilespmem:s24+$0x8010] =	vst v4;
	v2 =	vmin.u32 v2, $0x1400;
	v1 =	vsub.s32 v1, v0  }
0x27: {  	v4 =	vld [tilespmem:s26+$0x8010];
	[tilespmem:s24+$0x8020] =	vst v2;
	v1 =	vmin.u32 v1, $0x1400;
	v5 =	vsub.s32 v5, v0  }
0x28: {  	v2 =	vld [tilespmem:s26+$0x8020];
	[tilespmem:s24+$0x8030] =	vst v1;
	v5 =	vmin.u32 v5, $0x1400  }
0x29: {  	s25 =	sadd.s32 $0x200, s25;
	v1 =	vld [tilespmem:s26+$0x8030];
	[tilespmem:s24+$0x8040] =	vst v5;
	s24 =	smov.u32 s26  }
0x2a: {  	v5 =	vld [tilespmem:s24+$0x8040]  }
0x2b: {  	v3 =	vsub.s32 v3, v0  }
0x2c: {  	v3 =	vmin.u32 v3, $0x1400;
	v4 =	vsub.s32 v4, v0  }
0x2d: {  	[tilespmem:s24+$0x8000] =	vst v3;
	v3 =	vmin.u32 v4, $0x1400;
	v2 =	vsub.s32 v2, v0  }
0x2e: {  	[tilespmem:s24+$0x8010] =	vst v3;
	v2 =	vmin.u32 v2, $0x1400;
	v1 =	vsub.s32 v1, v0  }
0x2f: {  	[tilespmem:s24+$0x8020] =	vst v2;
	v1 =	vmin.u32 v1, $0x1400;
	v2 =	vsub.s32 v5, v0  }
0x30: {  	[tilespmem:s24+$0x8030] =	vst v1;
	v1 =	vmin.u32 v2, $0x1400  }
0x31: {  	[tilespmem:s24+$0x8040] =	vst v1  }
0x32: {  	s26 =	simm.s32 $0x0;
	[bflag:$0x0] =	sbarrier.arrive $0xFFFF  }
0x33: {  	[tilespmem:s15], [sflag:$0x1] =	stream.indirect.gather [hbm4b:s4+s14], $0x80, s26, s14, $0xb8;
	[tilespmem:$0x1F400] =	vst v63  }
0x34: {  	s28 =	simm.s32 $0x80  }
0x35: {  	[tilespmem:s16], [sflag:$0x2] =	stream.indirect.gather [hbm4b:s4+s14], $0x80, s28, s14, $0xb8;
	[tilespmem:$0x1F400] =	vst v63  }
0x36: {  	_ =	swait.ge [sflag:s17], $0x2800  }
0x37: {  	[sflag:s17] =	ssyncset.done $0x0  }
0x38: {  	s29 =	simm.s32 $0x8000;
	[sflag:s17] =	ssyncadd.s32 $0xFFFFD800  }
0x39: {  	[spmem:s1] =	stream.indirect.scatter.add.f32 [tilespmem:s15], [sflag:$0x3], $0x80, s29, s14, $0xb8;
	[tilespmem:$0x1F400] =	vst v63  }
0x3a: {  	_ =	swait.ge [sflag:s12], $0x2800  }
0x3b: {  	[sflag:s12] =	ssyncset.done $0x0  }
0x3c: {  	s30 =	simm.s32 $0x100;
	[sflag:s12] =	ssyncadd.s32 $0xFFFFD800  }
0x3d: {  	[tilespmem:s15], [sflag:$0x1] =	stream.indirect.gather [hbm4b:s4+s14], $0x80, s30, s14, $0xb8;
	[tilespmem:$0x1F400] =	vst v63  }
0x3e: {  	_ =	swait.ge [sflag:s18], $0x2800  }
0x3f: {  	[sflag:s18] =	ssyncset.done $0x0  }
0x40: {  	s31 =	simm.s32 $0x8080;
	[sflag:s18] =	ssyncadd.s32 $0xFFFFD800  }
0x41: {  	[spmem:s1] =	stream.indirect.scatter.add.f32 [tilespmem:s16], [sflag:$0x3], $0x80, s31, s14, $0xb8;
	[tilespmem:$0x1F400] =	vst v63  }
0x42: {  	_ =	swait.ge [sflag:s12], $0x2800  }
0x43: {  	s25 =	simm.s32 $0x800;
	s24 =	simm.s32 $0x100;
	[sflag:s12] =	ssyncset.done $0x0  }
.LBB2_4:
0x44: {  	s26 =	sadd.s32 $0x80, s24  }
0x45: {  	[sflag:s12] =	ssyncadd.s32 $0xFFFFD800;
	s28 =	smov.u32 s25;
	s29 =	sadd.s32 $0x400, s25  }
0x46: {  	[tilespmem:s16], [sflag:$0x2] =	stream.indirect.gather [hbm4b:s4+s14], $0x80, s26, s14, $0xb8;
	[tilespmem:$0x1F400] =	vst v63  }
0x47: {  	p0 =	sne.s32 s25, $0x1EC00;
	_ =	swait.ge [sflag:s17], $0x2800  }
0x48: {  	[sflag:s17] =	ssyncset.done $0x0  }
0x49: {  	s25 =	sadd.s32 $0x8000, s24;
	[sflag:s17] =	ssyncadd.s32 $0xFFFFD800  }
0x4a: {  	[spmem:s1] =	stream.indirect.scatter.add.f32 [tilespmem:s15], [sflag:$0x3], $0x80, s25, s14, $0xb8;
	[tilespmem:$0x1F400] =	vst v63  }
0x4b: {  	_ =	swait.ge [sflag:s12], $0x2800  }
0x4c: {  	[sflag:s12] =	ssyncset.done $0x0  }
0x4d: {  	s25 =	sadd.s32 $0x100, s24;
	[sflag:s12] =	ssyncadd.s32 $0xFFFFD800  }
0x4e: {  	[tilespmem:s15], [sflag:$0x1] =	stream.indirect.gather [hbm4b:s4+s14], $0x80, s25, s14, $0xb8;
	[tilespmem:$0x1F400] =	vst v63  }
0x4f: {  	_ =	swait.ge [sflag:s18], $0x2800  }
.Ltmp1:
0x50: {  	[sflag:s18] =	ssyncset.done $0x0;
	(pc) =	sbr.rel @p0 .LBB2_4-.Ltmp1, $4  }
0x51: {  	s24 =	sadd.s32 $0x8080, s24;
	[sflag:s18] =	ssyncadd.s32 $0xFFFFD800  }
0x52: {  	[spmem:s1] =	stream.indirect.scatter.add.f32 [tilespmem:s16], [sflag:$0x3], $0x80, s24, s14, $0xb8;
	[tilespmem:$0x1F400] =	vst v63  }
0x53: {  	_ =	swait.ge [sflag:s12], $0x2800  }
0x54: {  	s25 =	smov.u32 s29;
	s24 =	sshra.s32 s28, $0x2;
	[sflag:s12] =	ssyncset.done $0x0  }
0x55: {  	s25 =	sadd.s32 $0x80, s24;
	[sflag:s12] =	ssyncadd.s32 $0xFFFFD800  }
0x56: {  	[tilespmem:s16], [sflag:$0x2] =	stream.indirect.gather [hbm4b:s4+s14], $0x80, s25, s14, $0xb8;
	[tilespmem:$0x1F400] =	vst v63  }
0x57: {  	_ =	swait.ge [sflag:s17], $0x2800  }
0x58: {  	[sflag:s17] =	ssyncset.done $0x0  }
0x59: {  	s29 =	sadd.s32 $0x8000, s24;
	[sflag:s17] =	ssyncadd.s32 $0xFFFFD800  }
0x5a: {  	[spmem:s1] =	stream.indirect.scatter.add.f32 [tilespmem:s15], [sflag:$0x3], $0x80, s29, s14, $0xb8;
	[tilespmem:$0x1F400] =	vst v63  }
0x5b: {  	_ =	swait.ge [sflag:s12], $0x2800  }
0x5c: {  	[sflag:s12] =	ssyncset.done $0x0  }
0x5d: {  	s30 =	sadd.s32 $0x100, s24;
	[sflag:s12] =	ssyncadd.s32 $0xFFFFD800  }
0x5e: {  	[tilespmem:s15], [sflag:$0x1] =	stream.indirect.gather [hbm4b:s4+s14], $0x80, s30, s14, $0xb8;
	[tilespmem:$0x1F400] =	vst v63  }
0x5f: {  	_ =	swait.ge [sflag:s18], $0x2800  }
0x60: {  	[sflag:s18] =	ssyncset.done $0x0  }
0x61: {  	s31 =	sadd.s32 $0x8080, s24;
	[sflag:s18] =	ssyncadd.s32 $0xFFFFD800  }
0x62: {  	[spmem:s1] =	stream.indirect.scatter.add.f32 [tilespmem:s16], [sflag:$0x3], $0x80, s31, s14, $0xb8;
	[tilespmem:$0x1F400] =	vst v63  }
0x63: {  	_ =	swait.ge [sflag:s12], $0x2800  }
0x64: {  	[sflag:s12] =	ssyncset.done $0x0  }
0x65: {  	[sflag:s12] =	ssyncadd.s32 $0xFFFFD800  }
0x66: {  	[tilespmem:s16], [sflag:$0x2] =	stream.indirect.gather [hbm4b:s4+s14], $0x80, s19, s14, $0xb8;
	[tilespmem:$0x1F400] =	vst v63  }
0x67: {  	_ =	swait.ge [sflag:s17], $0x2800  }
0x68: {  	[sflag:s17] =	ssyncset.done $0x0  }
0x69: {  	[sflag:s17] =	ssyncadd.s32 $0xFFFFD800  }
0x6a: {  	[spmem:s1] =	stream.indirect.scatter.add.f32 [tilespmem:s15], [sflag:$0x3], $0x80, s20, s14, $0xb8;
	[tilespmem:$0x1F400] =	vst v63  }
0x6b: {  	_ =	swait.ge [sflag:s12], $0x2800  }
0x6c: {  	[sflag:s12] =	ssyncset.done $0x0  }
0x6d: {  	[sflag:s12] =	ssyncadd.s32 $0xFFFFD800  }
0x6e: {  	_ =	swait.ge [sflag:s18], $0x2800  }
0x6f: {  	[sflag:s18] =	ssyncset.done $0x0  }
0x70: {  	[sflag:s18] =	ssyncadd.s32 $0xFFFFD800  }
0x71: {  	[spmem:s1] =	stream.indirect.scatter.add.f32 [tilespmem:s16], [sflag:$0x3], $0x80, s21, s14, $0xb8;
	[tilespmem:$0x1F400] =	vst v63  }
0x72: {  	_ =	swait.ge [sflag:s12], $0x2800  }
0x73: {  	s23 =	sadd.s32 $0x1, s23;
	[sflag:s12] =	ssyncset.done $0x0  }
0x74: {  	p0 =	sne.s32 s23, s10;
	[sflag:s12] =	ssyncadd.s32 $0xFFFFD800  }
.Ltmp2:
0x75: {  	[bflag:$0x0] =	sbarrier.arrive $0xFFFF;
	(pc) =	sbr.rel @p0 .LBB2_1-.Ltmp2, $4  }
0x76: {  	[hbm:s9], [sflag:s6] =	dma.local [spmem:s22], $0x1400  }
0x77: {  	_ =	swait.ge [sflag:s12], $0x1400  }
0x78: {  	[sflag:s12] =	ssyncset.done $0x0  }
0x79: {  	[sflag:s12] =	ssyncadd.s32 $0xFFFFEC00  }
0x7a: {  	_ =	sfence.sel $0x180000  }
0x7b: {  	[bflag:$0x0] =	sbarrier.arrive $0xFFFF  }
0x7c: {  	p0 =	sne.s32 s2, $0x0;
	_ =	strace $0x9000004A  }
0x7d: {  	s0 =	sadd.s32 @!p0 $0x100000, s0;
	[bflag:$0x2] =	sbarrier.arrive $0xFFFF  }
0x7e: {  	[sflag:s0] =	ssyncadd.tile.s32 @!p0 $0x1;
	_ =	shalt  }
.Lfunc_end2:
_tile_overlayer_lowered:
.L_overlay_start_2:
0x7f: {  	(tag) =	ssettag $0x2  }
0x80: {  	s0 =	rddreg [dreg:$0x0];
	s2 =	stileid.u32  }
0x81: {  	s1 =	rddreg [dreg:$0x1];
	p0 =	sne.s32 s2, $0x0  }
0x82: {  	s3 =	rddreg [dreg:$0x2];
	[bflag:$0x3] =	sbarrier.arrive $0xFFFF;
	s2 =	simm.s32 @!p0 $0x1C03  }
0x83: {  	[timem:s3], [sflag:s2] =	dma.local @!p0 [hbm:s0], s1  }
0x84: {  	s0 =	simm.s32 @!p0 $0x3  }
0x85: {  	_ =	swait.ge @!p0 [sflag:s0], s1  }
0x86: {  	s1 =	ssub.s32 @!p0 $0x0, s1;
	[sflag:s0] =	ssyncset.done @!p0 $0x0  }
0x87: {  	[sflag:s0] =	ssyncadd.s32 @!p0 s1  }
0x88: {  	[bflag:$0x3] =	sbarrier.arrive $0xFFFF  }
0x89: {  	_ =	shalt  }

// kernel: kernel.14.cloned.1.call-start
scs
__scs_entry_jumppad:
0x0: {  	(pc) =	sbr.rel $0x88, $3  }
0x1: {  	(tag) =	ssettag $0x0;
	lr =	simm.s32 $0x1  }
0x2: {  	[smem:$0x3F8F] =	sst lr;
	_ =	strace $0xD0000000  }
0x3: {  	_ = 	snop  }
0x4: {  	_ = 	snop  }
0x5: {  	_ = 	snop  }
0x6: {  	_ = 	snop  }
0x7: {  	_ = 	snop  }
__scs_overlays_trampoline_lowered:
0x8: {  	[smem:$0x3F9E] =	sst s0  }
0x9: {  	[smem:$0x3F9F] =	sst s1  }
0xa: {  	[smem:$0x3FA0] =	sst s2  }
0xb: {  	[smem:$0x3FA1] =	sst s3  }
0xc: {  	[smem:$0x3FA2] =	sst s4  }
0xd: {  	[smem:$0x3FA3] =	sst s5  }
0xe: {  	[smem:$0x3FA4] =	sst s6  }
0xf: {  	[smem:$0x3FA5] =	sst s7  }
0x10: {  	[smem:$0x3FA6] =	sst s8  }
0x11: {  	[smem:$0x3FA7] =	sst s9;
	s0 =	simm.s32 @!p0 $0x0  }
0x12: {  	s1 =	sld [smem:$0x3F8D];
	s0 =	simm.s32 @p0 $0x1  }
0x13: {  	[smem:$0x3FA8] =	sst s0;
	s0 =	simm.s32 @!p1 $0x0  }
0x14: {  	s2 =	sld [smem:$0x3F8C];
	s0 =	simm.s32 @p1 $0x1  }
0x15: {  	[smem:$0x3FA9] =	sst s0;
	s0 =	simm.s32 @!p2 $0x0  }
0x16: {  	s3 =	sld [smem:$0x3FDB];
	s0 =	simm.s32 @p2 $0x1  }
0x17: {  	s4 =	simm.s32 $0x1BF5;
	[smem:$0x3FAB] =	sst s0  }
0x18: {  	s0 =	sld [smem:$0x3F8E];
	_ =	swait.ge [sflag:s4], $0x0  }
0x19: {  	s7 =	sld [smem:$0x3F8F]  }
0x1a: {  	s8 =	sadd.s32 $0xFFFFE003, lr  }
0x1b: {  	s9 =	sadd.s32 $0xFFFFFEF7, lr;
	s5 =	simm.s32 $0xFFFFFFFF;
	p2 =	slt.u32 s8, $0xFFFFF086  }
0x1c: {  	p1 =	slt.u32 s9, $0xF7A;
	s5 =	simm.s32 @!p2 $0x0  }
0x1d: {  	s5 =	simm.s32 @p1 $0x1;
	p0 =	seq.s32 s7, s2  }
0x1e: {  	s7 =	smul.u32 @!p0 $0xF7A, s2;
	p2 =	seq.s32 @!p0 s5, $0x0  }
0x1f: {  	s9 =	smul.u32 $0xF7A, s1;
	s8 =	simm.s32 @!p0 $0x1BF5;
	p2 =	por !p2, p0  }
0x20: {  	[sflag:s8] =	ssyncset.s32 @!p0 $0xFFFFF086;
	s6 =	sadd.s32 @!p0 s3, s7;
	s7 =	simm.s32 @!p0 $0x108  }
0x21: {  	s3 =	sadd.s32 s3, s9;
	s6 =	sadd.s32 @!p0 $0x88, s6;
	s7 =	simm.s32 @p2 $0x1082  }
0x22: {  	[simem:s7], [sflag:s8] =	dma.local @!p0 [hbm:s6], $0xF7A  }
0x23: {  	s9 =	sor.u32 $0xD0000000, s2;
	s6 =	simm.s32 $0x108;
	_ =	swait.ge @!p0 [sflag:s8], $0x0  }
0x24: {  	s3 =	sadd.s32 $0x88, s3;
	s6 =	simm.s32 @!p1 $0x1082;
	[sflag:s4] =	ssyncset.s32 $0xFFFFF086  }
0x25: {  	[simem:s6], [sflag:s4] =	dma.local [hbm:s3], $0xF7A  }
0x26: {  	[smem:$0x3F8F] =	sst s1;
	(tag) =	ssettag s2;
	_ =	strace s9  }
0x27: {  	s1 =	sld [smem:$0x3F9F]  }
0x28: {  	s2 =	sld [smem:$0x3FA0]  }
0x29: {  	s4 =	sld [smem:$0x3FA2]  }
0x2a: {  	p0 =	seq.s32 s5, $0x0;
	s5 =	sld [smem:$0x3FA3]  }
0x2b: {  	s6 =	sld [smem:$0x3FA4]  }
0x2c: {  	s7 =	sld [smem:$0x3FA5]  }
0x2d: {  	s3 =	simm.s32 $0x108;
	s8 =	sld [smem:$0x3FA6]  }
0x2e: {  	s3 =	simm.s32 @!p0 $0x1082;
	s9 =	sld [smem:$0x3FA7]  }
0x2f: {  	lr =	sadd.s32 s0, s3;
	s0 =	sld [smem:$0x3F9E]  }
0x30: {  	s3 =	sld [smem:$0x3FA1]  }
0x31: {  	[smem:$0x3FAA] =	sst s10  }
0x32: {  	s10 =	sld [smem:$0x3FA8];
	_ =	sdelay $0x3  }
0x33: {  	p0 =	seq.s32 s10, $0x1;
	s10 =	sld [smem:$0x3FAA];
	_ =	sdelay $0x3  }
0x34: {  	[smem:$0x3FAA] =	sst s10  }
0x35: {  	s10 =	sld [smem:$0x3FA9];
	_ =	sdelay $0x3  }
0x36: {  	p1 =	seq.s32 s10, $0x1;
	s10 =	sld [smem:$0x3FAA];
	_ =	sdelay $0x3  }
0x37: {  	[smem:$0x3FAA] =	sst s10  }
0x38: {  	s10 =	sld [smem:$0x3FAB]  }
0x39: {  	_ = 	snop;
	(pc) =	sbr.ind lr, $3  }
0x3a: {  	_ = 	snop  }
0x3b: {  	_ = 	snop  }
0x3c: {  	p2 =	seq.s32 s10, $0x1;
	s10 =	sld [smem:$0x3FAA]  }
0x3d: {  	_ =	shalt  }
0x3e: {  	_ =	shalt  }
0x3f: {  	_ =	shalt  }
0x40: {  	_ =	shalt  }
0x41: {  	_ =	shalt  }
0x42: {  	_ =	shalt  }
0x43: {  	_ =	shalt  }
0x44: {  	_ =	shalt  }
0x45: {  	_ =	shalt  }
0x46: {  	_ =	shalt  }
0x47: {  	_ =	shalt  }
0x48: {  	_ =	shalt  }
0x49: {  	_ =	shalt  }
0x4a: {  	_ =	shalt  }
0x4b: {  	_ =	shalt  }
0x4c: {  	_ =	shalt  }
0x4d: {  	_ =	shalt  }
0x4e: {  	_ =	shalt  }
0x4f: {  	_ =	shalt  }
0x50: {  	_ =	shalt  }
0x51: {  	_ =	shalt  }
0x52: {  	_ =	shalt  }
0x53: {  	_ =	shalt  }
0x54: {  	_ =	shalt  }
0x55: {  	_ =	shalt  }
0x56: {  	_ =	shalt  }
0x57: {  	_ =	shalt  }
0x58: {  	_ =	shalt  }
0x59: {  	_ =	shalt  }
0x5a: {  	_ =	shalt  }
0x5b: {  	_ =	shalt  }
0x5c: {  	_ =	shalt  }
0x5d: {  	_ =	shalt  }
0x5e: {  	_ =	shalt  }
0x5f: {  	_ =	shalt  }
0x60: {  	_ =	shalt  }
0x61: {  	_ =	shalt  }
0x62: {  	_ =	shalt  }
0x63: {  	_ =	shalt  }
0x64: {  	_ =	shalt  }
0x65: {  	_ =	shalt  }
0x66: {  	_ =	shalt  }
0x67: {  	_ =	shalt  }
0x68: {  	_ =	shalt  }
0x69: {  	_ =	shalt  }
0x6a: {  	_ =	shalt  }
0x6b: {  	_ =	shalt  }
0x6c: {  	_ =	shalt  }
0x6d: {  	_ =	shalt  }
0x6e: {  	_ =	shalt  }
0x6f: {  	_ =	shalt  }
0x70: {  	_ =	shalt  }
0x71: {  	_ =	shalt  }
0x72: {  	_ =	shalt  }
0x73: {  	_ =	shalt  }
0x74: {  	_ =	shalt  }
0x75: {  	_ =	shalt  }
0x76: {  	_ =	shalt  }
0x77: {  	_ =	shalt  }
0x78: {  	_ =	shalt  }
0x79: {  	_ =	shalt  }
0x7a: {  	_ =	shalt  }
0x7b: {  	_ =	shalt  }
0x7c: {  	_ =	shalt  }
0x7d: {  	_ =	shalt  }
0x7e: {  	_ =	shalt  }
0x7f: {  	_ =	shalt  }
0x80: {  	_ =	shalt  }
0x81: {  	_ =	shalt  }
0x82: {  	_ =	shalt  }
0x83: {  	_ =	shalt  }
0x84: {  	_ =	shalt  }
0x85: {  	_ =	shalt  }
0x86: {  	_ =	shalt  }
0x87: {  	_ =	shalt  }
.Lfunc_end0:
.L_simem_size_0:
called_computation.2_lowered:
.L_overlay_start_0:
0x88: {  	s2 =	sld [smem:$0x3FD9]  }
0x89: {  	s3 =	sld [smem:$0x3FFE];
	_ =	sdelay $0x1  }
0x8a: {  	s1 =	srdreg.scid  }
0x8b: {  	s0 =	sand.u32 $0x1, s1  }
0x8c: {  	s16 =	sshll.u32 s0, $0xA;
	s2 =	sadd.s32 s3, s2  }
0x8d: {  	s2 =	sadd.s32 s2, s16  }
0x8e: {  	[smem:$0x3FB6] =	sst s2  }
0x8f: {  	_ = 	snop  }
0x90: {  	(tm) =	ssettm $0x1  }
0x91: {  	s17 =	sld [smem:$0x3FFB];
	_ =	sdelay $0x3  }
0x92: {  	_ =	strace s17  }
0x93: {  	s2 =	sld [smem:$0x3FFC];
	_ =	sdelay $0x3  }
0x94: {  	_ =	strace s2  }
0x95: {  	s2 =	sld [smem:$0x3FFD];
	_ =	sdelay $0x3  }
0x96: {  	_ =	strace s2  }
0x97: {  	_ =	strace $0x8FFFFFFF  }
0x98: {  	s18 =	sld [smem:$0x3FDB];
	_ =	sdelay $0x1  }
0x99: {  	s19 =	simm.s32 $_scs_section_size  }
0x9a: {  	s4 =	simm.s32 $_size__tile_overlayer_lowered;
	s5 =	simm.s32 $_tile_overlayer_lowered  }
0x9b: {  	s22 =	simm.s32 $0x1BFF;
	s21 =	sshll.u32 s5, $0x1;
	s2 =	sadd.s32 s19, s18  }
0x9c: {  	s6 =	simm.s32 $0x0;
	s20 =	sshll.u32 s4, $0x1;
	s4 =	sadd.s32 s21, s2  }
0x9d: {  	[timem:s6], [sflag:s22] =	dma.local [hbm:s4], s20  }
0x9e: {  	_ =	swait.ge [sflag:s22], s20  }
0x9f: {  	s3 =	ssub.s32 $0x0, s20;
	[sflag:s22] =	ssyncset.done $0x0  }
0xa0: {  	[sflag:s22] =	ssyncadd.s32 s3;
	_ =	sdelay $0x1  }
0xa1: {  	s23 =	simm.s32 $0x1B8B  }
0xa2: {  	_ =	swait.ge [sflag:s23], $0x1  }
0xa3: {  	[sflag:s23] =	ssyncset.done $0x0  }
0xa4: {  	s25 =	simm.s32 $0x1B8E;
	s24 =	sld [smem:$0x3FFE];
	[sflag:s23] =	ssyncadd.s32 $0xFFFFFFFF  }
0xa5: {  	s26 =	simm.s32 $execute0_lowered;
	[smem:$0x3FD2] =	sst s25  }
0xa6: {  	s4 =	sshll.u32 s26, $0x1;
	_ =	strace $0x8000004C;
	[dreg:$0x1] =	wrdreg $0xFFFFFFFF  }
0xa7: {  	s28 =	simm.s32 $_size_execute0_lowered;
	s2 =	sadd.s32 s2, s4;
	[dreg:$0x0] =	wrdreg $0x0  }
0xa8: {  	s4 =	sshll.u32 s28, $0x1;
	[dreg:$0x2] =	wrdreg s2  }
0xa9: {  	[dreg:$0x3] =	wrdreg s4  }
0xaa: {  	[dreg:$0x4] =	wrdreg $0xC0  }
0xab: {  	_ =	task [dreg:s6], $0x5FFFF  }
0xac: {  	[dreg:$0x1] =	wrdreg $0xFFFFFFFF  }
0xad: {  	[dreg:$0x0] =	wrdreg $0x60  }
0xae: {  	[dreg:$0x2] =	wrdreg s24  }
0xaf: {  	[dreg:$0x3] =	wrdreg $0x150000  }
0xb0: {  	[dreg:$0x4] =	wrdreg $0x9  }
0xb1: {  	_ =	task.clear_ibuf [dreg:s6], $0x5FFFF;
	_ =	strace $0x9000004C  }
0xb2: {  	s29 =	simm.s32 $0x9;
	_ =	strace $0x8000004E  }
0xb3: {  	_ =	swait.ge [sflag:s29], $0x1  }
0xb4: {  	[sflag:s29] =	ssyncadd.s32 $0xFFFFFFFF  }
0xb5: {  	_ =	strace $0x9000004E  }
0xb6: {  	_ =	sfence  }
0xb7: {  	s30 =	sld [smem:$0x0];
	_ =	sdelay $0x2  }
0xb8: {  	s31 =	sshll.u32 s1, $0xD;
	s1 =	sshrl.u32 s1, $0x2  }
0xb9: {  	s3 =	sand.u32 $0x4000, s31;
	s1 =	sadd.s32 s1, s30  }
0xba: {  	s0 =	sor.u32 s3, s0;
	s1 =	sshll.u32 s1, $0x11  }
0xbb: {  	s0 =	sor.u32 s1, s0  }
0xbc: {  	s0 =	sadd.s32 $0x8F2B, s0  }
0xbd: {  	[sflag:s0] =	ssyncadd.remote.s32 $0x1  }
0xbe: {  	_ =	sfence.sel $0xFFFF  }
0xbf: {  	[dreg:$0x0] =	wrdreg $0xFFFFFFFF;
	(pc) =	sbr.abs _section_cstart, $3  }
0xc0: {  	[dreg:$0x1] =	wrdreg $0xFFFFFFFF  }
0xc1: {  	_ =	task.clear_ibuf [dreg:s6], $0x2FFFF;
	_ =	strace $0x9FFFFFFF  }
0xc2: {  	(tm) =	ssettm $0x7FFFFFFF  }
0xc3: {  	_ =	shalt  }
tec
execute0_lowered:
.L_overlay_start_1:
0x0: {  	(tag) =	ssettag $0x1  }
0x1: {  	s6 =	rddreg [dreg:$0x0]  }
0x2: {  	s1 =	rddreg [dreg:$0x1]  }
0x3: {  	s2 =	srdreg.scid;
	s0 =	rddreg [dreg:$0x2];
	s3 =	simm.s32 $0x0  }
0x4: {  	s15 =	simm.s32 $0x10000;
	s16 =	simm.s32 $0x12800;
	s17 =	simm.s32 $0x1  }
0x5: {  	s18 =	simm.s32 $0x2;
	s19 =	simm.s32 $0x7C80;
	s9 =	sand.u32 $0x1, s2  }
0x6: {  	s20 =	simm.s32 $0xFC00;
	s2 =	stileid.u32;
	s5 =	smul.u32 $0xA0000, s9  }
0x7: {  	s23 =	simm.s32 $0x0;
	[smem:$0x7FF] =	sst s3;
	s8 =	smul.u32 $0xA000, s2  }
0x8: {  	s4 =	sadd.s32 $0x34800, s6;
	s7 =	sshll.u32 s2, $0xC;
	s11 =	smul.u32 $0x29000, s2  }
0x9: {  	_ =	strace $0x8000004D;
	s28 =	ssub.s32 $0x2, s9;
	s14 =	smul.u32 $0x28000, s2  }
0xa: {  	s30 =	sshll.u32 s2, $0x6;
	s21 =	smul.u32 $0x1400, s9;
	s10 =	sadd.s32 s7, s6  }
0xb: {  	s12 =	sshrl.u32 s28, $0x1;
	s26 =	sadd.s32 s8, s5;
	s5 =	sadd.s32 $0x3800, s6  }
0xc: {  	s12 =	ssub.s32 s28, s12;
	s29 =	sshrl.u32 s11, $0x2;
	s8 =	sadd.s32 $0x24800, s10  }
0xd: {  	s31 =	sshrl.u32 s14, $0x2;
	s14 =	simm.s32 $0x50;
	v0 =	vmov s21;
	s21 =	simm.s32 $0xFC80  }
0xe: {  	s7 =	sshrl.u32 s26, $0x3;
	s11 =	sadd.s32 s29, s1;
	s22 =	sadd.s32 s31, s1  }
0xf: {  	s13 =	sadd.s32 s7, s6;
	s6 =	sor.u32 $0x1C03, s30;
	s7 =	sadd.s32 $0x14800, s10  }
0x10: {  	s10 =	smax.u32 s12, $0x1;
	s11 =	sshrl.u32 s11, $0x3;
	s12 =	simm.s32 $0x3  }
0x11: {  	s22 =	sshrl.u32 s22, $0x3;
	s9 =	sadd.s32 $0x5BA00, s13;
	s13 =	simm.s32 $0x8000  }
.LBB2_1:
0x12: {  	[spmem:s11], [sflag:s6] =	dma.local [hbm:s5], $0x1480  }
0x13: {  	_ =	swait.ge [sflag:s12], $0x1480  }
0x14: {  	[sflag:s12] =	ssyncset.done $0x0  }
0x15: {  	[sflag:s12] =	ssyncadd.s32 $0xFFFFEB80  }
0x16: {  	[tilespmem:s3], [sflag:$0x3] =	stream.linear.gather [hbm4b:s7+s3], $0x7D00, $0x38;
	[tilespmem:$0x1F400] =	vst v63  }
0x17: {  	_ =	swait.ge [sflag:s12], $0x7D00  }
0x18: {  	[sflag:s12] =	ssyncset.done $0x0  }
0x19: {  	[sflag:s12] =	ssyncadd.s32 $0xFFFF8300  }
0x1a: {  	[tilespmem:s13], [sflag:$0x3] =	stream.linear.gather [hbm4b:s8+s3], $0x7D00, $0x38;
	[tilespmem:$0x1F400] =	vst v63  }
0x1b: {  	_ =	swait.ge [sflag:s12], $0x7D00  }
0x1c: {  	[sflag:s12] =	ssyncset.done $0x0  }
0x1d: {  	s24 =	simm.s32 $0x0;
	[sflag:s12] =	ssyncadd.s32 $0xFFFF8300  }
0x1e: {  	v3 =	vld [tilespmem:s24+$0x8000]  }
0x1f: {  	v4 =	vld [tilespmem:s24+$0x8010]  }
0x20: {  	v2 =	vld [tilespmem:s24+$0x8020]  }
0x21: {  	s25 =	simm.s32 $0x200;
	v1 =	vld [tilespmem:s24+$0x8030]  }
.LBB2_2:
0x22: {  	p0 =	sne.s32 s25, $0x1F200;
	v5 =	vld [tilespmem:s24+$0x8040]  }
0x23: {  	v3 =	vsub.s32 v3, v0  }
0x24: {  	v3 =	vmin.u32 v3, $0x1400;
	v4 =	vsub.s32 v4, v0  }
.Ltmp0:
0x25: {  	s26 =	sshra.s32 s25, $0x2;
	[tilespmem:s24+$0x8000] =	vst v3;
	v4 =	vmin.u32 v4, $0x1400;
	v2 =	vsub.s32 v2, v0;
	(pc) =	sbr.rel @p0 .LBB2_2-.Ltmp0, $4  }
0x26: {  	v3 =	vld [tilespmem:s26+$0x8000];
	[tilespmem:s24+$0x8010] =	vst v4;
	v2 =	vmin.u32 v2, $0x1400;
	v1 =	vsub.s32 v1, v0  }
0x27: {  	v4 =	vld [tilespmem:s26+$0x8010];
	[tilespmem:s24+$0x8020] =	vst v2;
	v1 =	vmin.u32 v1, $0x1400;
	v5 =	vsub.s32 v5, v0  }
0x28: {  	v2 =	vld [tilespmem:s26+$0x8020];
	[tilespmem:s24+$0x8030] =	vst v1;
	v5 =	vmin.u32 v5, $0x1400  }
0x29: {  	s25 =	sadd.s32 $0x200, s25;
	v1 =	vld [tilespmem:s26+$0x8030];
	[tilespmem:s24+$0x8040] =	vst v5;
	s24 =	smov.u32 s26  }
0x2a: {  	v5 =	vld [tilespmem:s24+$0x8040]  }
0x2b: {  	v3 =	vsub.s32 v3, v0  }
0x2c: {  	v3 =	vmin.u32 v3, $0x1400;
	v4 =	vsub.s32 v4, v0  }
0x2d: {  	[tilespmem:s24+$0x8000] =	vst v3;
	v3 =	vmin.u32 v4, $0x1400;
	v2 =	vsub.s32 v2, v0  }
0x2e: {  	[tilespmem:s24+$0x8010] =	vst v3;
	v2 =	vmin.u32 v2, $0x1400;
	v1 =	vsub.s32 v1, v0  }
0x2f: {  	[tilespmem:s24+$0x8020] =	vst v2;
	v1 =	vmin.u32 v1, $0x1400;
	v2 =	vsub.s32 v5, v0  }
0x30: {  	[tilespmem:s24+$0x8030] =	vst v1;
	v1 =	vmin.u32 v2, $0x1400  }
0x31: {  	[tilespmem:s24+$0x8040] =	vst v1  }
0x32: {  	s26 =	simm.s32 $0x0;
	[bflag:$0x0] =	sbarrier.arrive $0xFFFF  }
0x33: {  	[tilespmem:s15], [sflag:$0x1] =	stream.indirect.gather [hbm4b:s4+s14], $0x80, s26, s14, $0xb8;
	[tilespmem:$0x1F400] =	vst v63  }
0x34: {  	s28 =	simm.s32 $0x80  }
0x35: {  	[tilespmem:s16], [sflag:$0x2] =	stream.indirect.gather [hbm4b:s4+s14], $0x80, s28, s14, $0xb8;
	[tilespmem:$0x1F400] =	vst v63  }
0x36: {  	_ =	swait.ge [sflag:s17], $0x2800  }
0x37: {  	[sflag:s17] =	ssyncset.done $0x0  }
0x38: {  	s29 =	simm.s32 $0x8000;
	[sflag:s17] =	ssyncadd.s32 $0xFFFFD800  }
0x39: {  	[spmem:s1] =	stream.indirect.scatter.add.f32 [tilespmem:s15], [sflag:$0x3], $0x80, s29, s14, $0xb8;
	[tilespmem:$0x1F400] =	vst v63  }
0x3a: {  	_ =	swait.ge [sflag:s12], $0x2800  }
0x3b: {  	[sflag:s12] =	ssyncset.done $0x0  }
0x3c: {  	s30 =	simm.s32 $0x100;
	[sflag:s12] =	ssyncadd.s32 $0xFFFFD800  }
0x3d: {  	[tilespmem:s15], [sflag:$0x1] =	stream.indirect.gather [hbm4b:s4+s14], $0x80, s30, s14, $0xb8;
	[tilespmem:$0x1F400] =	vst v63  }
0x3e: {  	_ =	swait.ge [sflag:s18], $0x2800  }
0x3f: {  	[sflag:s18] =	ssyncset.done $0x0  }
0x40: {  	s31 =	simm.s32 $0x8080;
	[sflag:s18] =	ssyncadd.s32 $0xFFFFD800  }
0x41: {  	[spmem:s1] =	stream.indirect.scatter.add.f32 [tilespmem:s16], [sflag:$0x3], $0x80, s31, s14, $0xb8;
	[tilespmem:$0x1F400] =	vst v63  }
0x42: {  	_ =	swait.ge [sflag:s12], $0x2800  }
0x43: {  	s25 =	simm.s32 $0x800;
	s24 =	simm.s32 $0x100;
	[sflag:s12] =	ssyncset.done $0x0  }
.LBB2_4:
0x44: {  	s26 =	sadd.s32 $0x80, s24  }
0x45: {  	[sflag:s12] =	ssyncadd.s32 $0xFFFFD800;
	s28 =	smov.u32 s25;
	s29 =	sadd.s32 $0x400, s25  }
0x46: {  	[tilespmem:s16], [sflag:$0x2] =	stream.indirect.gather [hbm4b:s4+s14], $0x80, s26, s14, $0xb8;
	[tilespmem:$0x1F400] =	vst v63  }
0x47: {  	p0 =	sne.s32 s25, $0x1EC00;
	_ =	swait.ge [sflag:s17], $0x2800  }
0x48: {  	[sflag:s17] =	ssyncset.done $0x0  }
0x49: {  	s25 =	sadd.s32 $0x8000, s24;
	[sflag:s17] =	ssyncadd.s32 $0xFFFFD800  }
0x4a: {  	[spmem:s1] =	stream.indirect.scatter.add.f32 [tilespmem:s15], [sflag:$0x3], $0x80, s25, s14, $0xb8;
	[tilespmem:$0x1F400] =	vst v63  }
0x4b: {  	_ =	swait.ge [sflag:s12], $0x2800  }
0x4c: {  	[sflag:s12] =	ssyncset.done $0x0  }
0x4d: {  	s25 =	sadd.s32 $0x100, s24;
	[sflag:s12] =	ssyncadd.s32 $0xFFFFD800  }
0x4e: {  	[tilespmem:s15], [sflag:$0x1] =	stream.indirect.gather [hbm4b:s4+s14], $0x80, s25, s14, $0xb8;
	[tilespmem:$0x1F400] =	vst v63  }
0x4f: {  	_ =	swait.ge [sflag:s18], $0x2800  }
.Ltmp1:
0x50: {  	[sflag:s18] =	ssyncset.done $0x0;
	(pc) =	sbr.rel @p0 .LBB2_4-.Ltmp1, $4  }
0x51: {  	s24 =	sadd.s32 $0x8080, s24;
	[sflag:s18] =	ssyncadd.s32 $0xFFFFD800  }
0x52: {  	[spmem:s1] =	stream.indirect.scatter.add.f32 [tilespmem:s16], [sflag:$0x3], $0x80, s24, s14, $0xb8;
	[tilespmem:$0x1F400] =	vst v63  }
0x53: {  	_ =	swait.ge [sflag:s12], $0x2800  }
0x54: {  	s25 =	smov.u32 s29;
	s24 =	sshra.s32 s28, $0x2;
	[sflag:s12] =	ssyncset.done $0x0  }
0x55: {  	s25 =	sadd.s32 $0x80, s24;
	[sflag:s12] =	ssyncadd.s32 $0xFFFFD800  }
0x56: {  	[tilespmem:s16], [sflag:$0x2] =	stream.indirect.gather [hbm4b:s4+s14], $0x80, s25, s14, $0xb8;
	[tilespmem:$0x1F400] =	vst v63  }
0x57: {  	_ =	swait.ge [sflag:s17], $0x2800  }
0x58: {  	[sflag:s17] =	ssyncset.done $0x0  }
0x59: {  	s29 =	sadd.s32 $0x8000, s24;
	[sflag:s17] =	ssyncadd.s32 $0xFFFFD800  }
0x5a: {  	[spmem:s1] =	stream.indirect.scatter.add.f32 [tilespmem:s15], [sflag:$0x3], $0x80, s29, s14, $0xb8;
	[tilespmem:$0x1F400] =	vst v63  }
0x5b: {  	_ =	swait.ge [sflag:s12], $0x2800  }
0x5c: {  	[sflag:s12] =	ssyncset.done $0x0  }
0x5d: {  	s30 =	sadd.s32 $0x100, s24;
	[sflag:s12] =	ssyncadd.s32 $0xFFFFD800  }
0x5e: {  	[tilespmem:s15], [sflag:$0x1] =	stream.indirect.gather [hbm4b:s4+s14], $0x80, s30, s14, $0xb8;
	[tilespmem:$0x1F400] =	vst v63  }
0x5f: {  	_ =	swait.ge [sflag:s18], $0x2800  }
0x60: {  	[sflag:s18] =	ssyncset.done $0x0  }
0x61: {  	s31 =	sadd.s32 $0x8080, s24;
	[sflag:s18] =	ssyncadd.s32 $0xFFFFD800  }
0x62: {  	[spmem:s1] =	stream.indirect.scatter.add.f32 [tilespmem:s16], [sflag:$0x3], $0x80, s31, s14, $0xb8;
	[tilespmem:$0x1F400] =	vst v63  }
0x63: {  	_ =	swait.ge [sflag:s12], $0x2800  }
0x64: {  	[sflag:s12] =	ssyncset.done $0x0  }
0x65: {  	[sflag:s12] =	ssyncadd.s32 $0xFFFFD800  }
0x66: {  	[tilespmem:s16], [sflag:$0x2] =	stream.indirect.gather [hbm4b:s4+s14], $0x80, s19, s14, $0xb8;
	[tilespmem:$0x1F400] =	vst v63  }
0x67: {  	_ =	swait.ge [sflag:s17], $0x2800  }
0x68: {  	[sflag:s17] =	ssyncset.done $0x0  }
0x69: {  	[sflag:s17] =	ssyncadd.s32 $0xFFFFD800  }
0x6a: {  	[spmem:s1] =	stream.indirect.scatter.add.f32 [tilespmem:s15], [sflag:$0x3], $0x80, s20, s14, $0xb8;
	[tilespmem:$0x1F400] =	vst v63  }
0x6b: {  	_ =	swait.ge [sflag:s12], $0x2800  }
0x6c: {  	[sflag:s12] =	ssyncset.done $0x0  }
0x6d: {  	[sflag:s12] =	ssyncadd.s32 $0xFFFFD800  }
0x6e: {  	_ =	swait.ge [sflag:s18], $0x2800  }
0x6f: {  	[sflag:s18] =	ssyncset.done $0x0  }
0x70: {  	[sflag:s18] =	ssyncadd.s32 $0xFFFFD800  }
0x71: {  	[spmem:s1] =	stream.indirect.scatter.add.f32 [tilespmem:s16], [sflag:$0x3], $0x80, s21, s14, $0xb8;
	[tilespmem:$0x1F400] =	vst v63  }
0x72: {  	_ =	swait.ge [sflag:s12], $0x2800  }
0x73: {  	s23 =	sadd.s32 $0x1, s23;
	[sflag:s12] =	ssyncset.done $0x0  }
0x74: {  	p0 =	sne.s32 s23, s10;
	[sflag:s12] =	ssyncadd.s32 $0xFFFFD800  }
.Ltmp2:
0x75: {  	[bflag:$0x0] =	sbarrier.arrive $0xFFFF;
	(pc) =	sbr.rel @p0 .LBB2_1-.Ltmp2, $4  }
0x76: {  	[hbm:s9], [sflag:s6] =	dma.local [spmem:s22], $0x1400  }
0x77: {  	_ =	swait.ge [sflag:s12], $0x1400  }
0x78: {  	[sflag:s12] =	ssyncset.done $0x0  }
0x79: {  	[sflag:s12] =	ssyncadd.s32 $0xFFFFEC00  }
0x7a: {  	_ =	sfence.sel $0x180000  }
0x7b: {  	[bflag:$0x0] =	sbarrier.arrive $0xFFFF  }
0x7c: {  	p0 =	sne.s32 s2, $0x0;
	_ =	strace $0x9000004D  }
0x7d: {  	s0 =	sadd.s32 @!p0 $0x100000, s0;
	[bflag:$0x2] =	sbarrier.arrive $0xFFFF  }
0x7e: {  	[sflag:s0] =	ssyncadd.tile.s32 @!p0 $0x1;
	_ =	shalt  }
.Lfunc_end2:
_tile_overlayer_lowered:
.L_overlay_start_2:
0x7f: {  	(tag) =	ssettag $0x2  }
0x80: {  	s0 =	rddreg [dreg:$0x0];
	s2 =	stileid.u32  }
0x81: {  	s1 =	rddreg [dreg:$0x1];
	p0 =	sne.s32 s2, $0x0  }
0x82: {  	s3 =	rddreg [dreg:$0x2];
	[bflag:$0x3] =	sbarrier.arrive $0xFFFF;
	s2 =	simm.s32 @!p0 $0x1C03  }
0x83: {  	[timem:s3], [sflag:s2] =	dma.local @!p0 [hbm:s0], s1  }
0x84: {  	s0 =	simm.s32 @!p0 $0x3  }
0x85: {  	_ =	swait.ge @!p0 [sflag:s0], s1  }
0x86: {  	s1 =	ssub.s32 @!p0 $0x0, s1;
	[sflag:s0] =	ssyncset.done @!p0 $0x0  }
0x87: {  	[sflag:s0] =	ssyncadd.s32 @!p0 s1  }
0x88: {  	[bflag:$0x3] =	sbarrier.arrive $0xFFFF  }
0x89: {  	_ =	shalt  }

// kernel: kernel.8.cloned.1.call-start
scs
__scs_entry_jumppad:
0x0: {  	(pc) =	sbr.rel $0x88, $3  }
0x1: {  	(tag) =	ssettag $0x0;
	lr =	simm.s32 $0x1  }
0x2: {  	[smem:$0x3F8F] =	sst lr;
	_ =	strace $0xD0000000  }
0x3: {  	_ = 	snop  }
0x4: {  	_ = 	snop  }
0x5: {  	_ = 	snop  }
0x6: {  	_ = 	snop  }
0x7: {  	_ = 	snop  }
__scs_overlays_trampoline_lowered:
0x8: {  	[smem:$0x3F9E] =	sst s0  }
0x9: {  	[smem:$0x3F9F] =	sst s1  }
0xa: {  	[smem:$0x3FA0] =	sst s2  }
0xb: {  	[smem:$0x3FA1] =	sst s3  }
0xc: {  	[smem:$0x3FA2] =	sst s4  }
0xd: {  	[smem:$0x3FA3] =	sst s5  }
0xe: {  	[smem:$0x3FA4] =	sst s6  }
0xf: {  	[smem:$0x3FA5] =	sst s7  }
0x10: {  	[smem:$0x3FA6] =	sst s8  }
0x11: {  	[smem:$0x3FA7] =	sst s9;
	s0 =	simm.s32 @!p0 $0x0  }
0x12: {  	s1 =	sld [smem:$0x3F8D];
	s0 =	simm.s32 @p0 $0x1  }
0x13: {  	[smem:$0x3FA8] =	sst s0;
	s0 =	simm.s32 @!p1 $0x0  }
0x14: {  	s2 =	sld [smem:$0x3F8C];
	s0 =	simm.s32 @p1 $0x1  }
0x15: {  	[smem:$0x3FA9] =	sst s0;
	s0 =	simm.s32 @!p2 $0x0  }
0x16: {  	s3 =	sld [smem:$0x3FDB];
	s0 =	simm.s32 @p2 $0x1  }
0x17: {  	s4 =	simm.s32 $0x1BF5;
	[smem:$0x3FAB] =	sst s0  }
0x18: {  	s0 =	sld [smem:$0x3F8E];
	_ =	swait.ge [sflag:s4], $0x0  }
0x19: {  	s7 =	sld [smem:$0x3F8F]  }
0x1a: {  	s8 =	sadd.s32 $0xFFFFE003, lr  }
0x1b: {  	s9 =	sadd.s32 $0xFFFFFEF7, lr;
	s5 =	simm.s32 $0xFFFFFFFF;
	p2 =	slt.u32 s8, $0xFFFFF086  }
0x1c: {  	p1 =	slt.u32 s9, $0xF7A;
	s5 =	simm.s32 @!p2 $0x0  }
0x1d: {  	s5 =	simm.s32 @p1 $0x1;
	p0 =	seq.s32 s7, s2  }
0x1e: {  	s7 =	smul.u32 @!p0 $0xF7A, s2;
	p2 =	seq.s32 @!p0 s5, $0x0  }
0x1f: {  	s9 =	smul.u32 $0xF7A, s1;
	s8 =	simm.s32 @!p0 $0x1BF5;
	p2 =	por !p2, p0  }
0x20: {  	[sflag:s8] =	ssyncset.s32 @!p0 $0xFFFFF086;
	s6 =	sadd.s32 @!p0 s3, s7;
	s7 =	simm.s32 @!p0 $0x108  }
0x21: {  	s3 =	sadd.s32 s3, s9;
	s6 =	sadd.s32 @!p0 $0x88, s6;
	s7 =	simm.s32 @p2 $0x1082  }
0x22: {  	[simem:s7], [sflag:s8] =	dma.local @!p0 [hbm:s6], $0xF7A  }
0x23: {  	s9 =	sor.u32 $0xD0000000, s2;
	s6 =	simm.s32 $0x108;
	_ =	swait.ge @!p0 [sflag:s8], $0x0  }
0x24: {  	s3 =	sadd.s32 $0x88, s3;
	s6 =	simm.s32 @!p1 $0x1082;
	[sflag:s4] =	ssyncset.s32 $0xFFFFF086  }
0x25: {  	[simem:s6], [sflag:s4] =	dma.local [hbm:s3], $0xF7A  }
0x26: {  	[smem:$0x3F8F] =	sst s1;
	(tag) =	ssettag s2;
	_ =	strace s9  }
0x27: {  	s1 =	sld [smem:$0x3F9F]  }
0x28: {  	s2 =	sld [smem:$0x3FA0]  }
0x29: {  	s4 =	sld [smem:$0x3FA2]  }
0x2a: {  	p0 =	seq.s32 s5, $0x0;
	s5 =	sld [smem:$0x3FA3]  }
0x2b: {  	s6 =	sld [smem:$0x3FA4]  }
0x2c: {  	s7 =	sld [smem:$0x3FA5]  }
0x2d: {  	s3 =	simm.s32 $0x108;
	s8 =	sld [smem:$0x3FA6]  }
0x2e: {  	s3 =	simm.s32 @!p0 $0x1082;
	s9 =	sld [smem:$0x3FA7]  }
0x2f: {  	lr =	sadd.s32 s0, s3;
	s0 =	sld [smem:$0x3F9E]  }
0x30: {  	s3 =	sld [smem:$0x3FA1]  }
0x31: {  	[smem:$0x3FAA] =	sst s10  }
0x32: {  	s10 =	sld [smem:$0x3FA8];
	_ =	sdelay $0x3  }
0x33: {  	p0 =	seq.s32 s10, $0x1;
	s10 =	sld [smem:$0x3FAA];
	_ =	sdelay $0x3  }
0x34: {  	[smem:$0x3FAA] =	sst s10  }
0x35: {  	s10 =	sld [smem:$0x3FA9];
	_ =	sdelay $0x3  }
0x36: {  	p1 =	seq.s32 s10, $0x1;
	s10 =	sld [smem:$0x3FAA];
	_ =	sdelay $0x3  }
0x37: {  	[smem:$0x3FAA] =	sst s10  }
0x38: {  	s10 =	sld [smem:$0x3FAB]  }
0x39: {  	_ = 	snop;
	(pc) =	sbr.ind lr, $3  }
0x3a: {  	_ = 	snop  }
0x3b: {  	_ = 	snop  }
0x3c: {  	p2 =	seq.s32 s10, $0x1;
	s10 =	sld [smem:$0x3FAA]  }
0x3d: {  	_ =	shalt  }
0x3e: {  	_ =	shalt  }
0x3f: {  	_ =	shalt  }
0x40: {  	_ =	shalt  }
0x41: {  	_ =	shalt  }
0x42: {  	_ =	shalt  }
0x43: {  	_ =	shalt  }
0x44: {  	_ =	shalt  }
0x45: {  	_ =	shalt  }
0x46: {  	_ =	shalt  }
0x47: {  	_ =	shalt  }
0x48: {  	_ =	shalt  }
0x49: {  	_ =	shalt  }
0x4a: {  	_ =	shalt  }
0x4b: {  	_ =	shalt  }
0x4c: {  	_ =	shalt  }
0x4d: {  	_ =	shalt  }
0x4e: {  	_ =	shalt  }
0x4f: {  	_ =	shalt  }
0x50: {  	_ =	shalt  }
0x51: {  	_ =	shalt  }
0x52: {  	_ =	shalt  }
0x53: {  	_ =	shalt  }
0x54: {  	_ =	shalt  }
0x55: {  	_ =	shalt  }
0x56: {  	_ =	shalt  }
0x57: {  	_ =	shalt  }
0x58: {  	_ =	shalt  }
0x59: {  	_ =	shalt  }
0x5a: {  	_ =	shalt  }
0x5b: {  	_ =	shalt  }
0x5c: {  	_ =	shalt  }
0x5d: {  	_ =	shalt  }
0x5e: {  	_ =	shalt  }
0x5f: {  	_ =	shalt  }
0x60: {  	_ =	shalt  }
0x61: {  	_ =	shalt  }
0x62: {  	_ =	shalt  }
0x63: {  	_ =	shalt  }
0x64: {  	_ =	shalt  }
0x65: {  	_ =	shalt  }
0x66: {  	_ =	shalt  }
0x67: {  	_ =	shalt  }
0x68: {  	_ =	shalt  }
0x69: {  	_ =	shalt  }
0x6a: {  	_ =	shalt  }
0x6b: {  	_ =	shalt  }
0x6c: {  	_ =	shalt  }
0x6d: {  	_ =	shalt  }
0x6e: {  	_ =	shalt  }
0x6f: {  	_ =	shalt  }
0x70: {  	_ =	shalt  }
0x71: {  	_ =	shalt  }
0x72: {  	_ =	shalt  }
0x73: {  	_ =	shalt  }
0x74: {  	_ =	shalt  }
0x75: {  	_ =	shalt  }
0x76: {  	_ =	shalt  }
0x77: {  	_ =	shalt  }
0x78: {  	_ =	shalt  }
0x79: {  	_ =	shalt  }
0x7a: {  	_ =	shalt  }
0x7b: {  	_ =	shalt  }
0x7c: {  	_ =	shalt  }
0x7d: {  	_ =	shalt  }
0x7e: {  	_ =	shalt  }
0x7f: {  	_ =	shalt  }
0x80: {  	_ =	shalt  }
0x81: {  	_ =	shalt  }
0x82: {  	_ =	shalt  }
0x83: {  	_ =	shalt  }
0x84: {  	_ =	shalt  }
0x85: {  	_ =	shalt  }
0x86: {  	_ =	shalt  }
0x87: {  	_ =	shalt  }
.Lfunc_end0:
.L_simem_size_0:
called_computation_lowered:
.L_overlay_start_0:
0x88: {  	s2 =	sld [smem:$0x3FD9]  }
0x89: {  	s3 =	sld [smem:$0x3FFE];
	_ =	sdelay $0x1  }
0x8a: {  	s1 =	srdreg.scid  }
0x8b: {  	s0 =	sand.u32 $0x1, s1  }
0x8c: {  	s17 =	sshll.u32 s0, $0xA;
	s2 =	sadd.s32 s3, s2  }
0x8d: {  	s2 =	sadd.s32 s2, s17  }
0x8e: {  	[smem:$0x3FB6] =	sst s2  }
0x8f: {  	_ = 	snop  }
0x90: {  	s2 =	sld [smem:$0x3FD0];
	(tm) =	ssettm $0x1  }
0x91: {  	s18 =	sld [smem:$0x3FFB];
	_ =	sdelay $0x3  }
0x92: {  	_ =	strace s18  }
0x93: {  	s3 =	sld [smem:$0x3FFC];
	_ =	sdelay $0x3  }
0x94: {  	_ =	strace s3  }
0x95: {  	s3 =	sld [smem:$0x3FFD];
	_ =	sdelay $0x3  }
0x96: {  	_ =	strace s3  }
0x97: {  	_ =	strace $0x8FFFFFFF  }
0x98: {  	s19 =	sld [smem:$0x3FDB];
	_ =	sdelay $0x1  }
0x99: {  	s4 =	simm.s32 $_scs_section_size  }
0x9a: {  	s5 =	simm.s32 $_size__tile_overlayer_lowered;
	s6 =	simm.s32 $_tile_overlayer_lowered  }
0x9b: {  	s22 =	simm.s32 $0x1BFF;
	s21 =	sshll.u32 s6, $0x1;
	s3 =	sadd.s32 s4, s19  }
0x9c: {  	s7 =	simm.s32 $0x0;
	s20 =	sshll.u32 s5, $0x1;
	s5 =	sadd.s32 s21, s3  }
0x9d: {  	[timem:s7], [sflag:s22] =	dma.local [hbm:s5], s20  }
0x9e: {  	_ =	swait.ge [sflag:s22], s20  }
0x9f: {  	s4 =	ssub.s32 $0x0, s20;
	[sflag:s22] =	ssyncset.done $0x0  }
0xa0: {  	[sflag:s22] =	ssyncadd.s32 s4;
	_ =	sdelay $0x1  }
0xa1: {  	s23 =	simm.s32 $0x1B8B  }
0xa2: {  	_ =	swait.ge [sflag:s23], $0x1  }
0xa3: {  	[sflag:s23] =	ssyncset.done $0x0  }
0xa4: {  	s25 =	simm.s32 $0x1B8E;
	s24 =	sld [smem:$0x3FFE];
	[sflag:s23] =	ssyncadd.s32 $0xFFFFFFFF  }
0xa5: {  	s26 =	simm.s32 $execute0_lowered;
	[smem:$0x3FD2] =	sst s25  }
0xa6: {  	s5 =	sshll.u32 s26, $0x1;
	_ =	strace $0x80000046;
	[dreg:$0x1] =	wrdreg $0xFFFFFFFF  }
0xa7: {  	s28 =	simm.s32 $_size_execute0_lowered;
	s3 =	sadd.s32 s3, s5;
	[dreg:$0x0] =	wrdreg $0x0  }
0xa8: {  	s5 =	sshll.u32 s28, $0x1;
	[dreg:$0x2] =	wrdreg s3  }
0xa9: {  	[dreg:$0x3] =	wrdreg s5  }
0xaa: {  	[dreg:$0x4] =	wrdreg $0xC0  }
0xab: {  	_ =	task [dreg:s7], $0x5FFFF  }
0xac: {  	[dreg:$0x1] =	wrdreg $0xFFFFFFFF  }
0xad: {  	[dreg:$0x0] =	wrdreg $0x60  }
0xae: {  	[dreg:$0x2] =	wrdreg s24  }
0xaf: {  	[dreg:$0x3] =	wrdreg s2  }
0xb0: {  	[dreg:$0x4] =	wrdreg $0x68800  }
0xb1: {  	[dreg:$0x5] =	wrdreg $0x9  }
0xb2: {  	_ =	task.clear_ibuf [dreg:s7], $0x6FFFF;
	_ =	strace $0x90000046  }
0xb3: {  	s29 =	simm.s32 $0x9;
	_ =	strace $0x80000048  }
0xb4: {  	_ =	swait.ge [sflag:s29], $0x1  }
0xb5: {  	[sflag:s29] =	ssyncadd.s32 $0xFFFFFFFF  }
0xb6: {  	_ =	strace $0x90000048  }
0xb7: {  	_ =	sfence  }
0xb8: {  	s30 =	sld [smem:$0x0];
	_ =	sdelay $0x2  }
0xb9: {  	s31 =	sshll.u32 s1, $0xD;
	s1 =	sshrl.u32 s1, $0x2  }
0xba: {  	s3 =	sand.u32 $0x4000, s31;
	s1 =	sadd.s32 s1, s30  }
0xbb: {  	s0 =	sor.u32 s3, s0;
	s1 =	sshll.u32 s1, $0x11  }
0xbc: {  	s0 =	sor.u32 s1, s0  }
0xbd: {  	s0 =	sadd.s32 $0x8F2B, s0  }
0xbe: {  	[sflag:s0] =	ssyncadd.remote.s32 $0x1  }
0xbf: {  	_ =	sfence.sel $0xFFFF  }
0xc0: {  	[dreg:$0x0] =	wrdreg $0xFFFFFFFF;
	(pc) =	sbr.abs _section_cstart, $3  }
0xc1: {  	[dreg:$0x1] =	wrdreg $0xFFFFFFFF  }
0xc2: {  	_ =	task.clear_ibuf [dreg:s7], $0x2FFFF;
	_ =	strace $0x9FFFFFFF  }
0xc3: {  	(tm) =	ssettm $0x7FFFFFFF  }
tec
execute0_lowered:
.L_overlay_start_1:
0x0: {  	(tag) =	ssettag $0x1  }
0x1: {  	s5 =	rddreg [dreg:$0x0]  }
0x2: {  	s1 =	rddreg [dreg:$0x1]  }
0x3: {  	s2 =	rddreg [dreg:$0x2]  }
0x4: {  	s0 =	rddreg [dreg:$0x3];
	s3 =	simm.s32 $0x0;
	s8 =	stileid.u32  }
0x5: {  	s6 =	srdreg.scid;
	s12 =	simm.s32 $0x50;
	s13 =	simm.s32 $0x0  }
0x6: {  	[smem:$0x7FF] =	sst s3;
	s4 =	sshll.u32 s8, $0xB;
	s31 =	sand.u32 $0x1, s6  }
0x7: {  	p0 =	sne.s32 s8, $0x0;
	s8 =	simm.s32 $0x1;
	_ =	strace $0x80000047  }
0x8: {  	s7 =	sadd.s32 s4, s5;
	s6 =	smul.u32 $0x500, s31;
	s9 =	ssub.s32 $0x2, s31  }
0x9: {  	s10 =	sshll.u32 s31, $0xF;
	s4 =	sadd.s32 $0x13800, s5;
	s11 =	sshrl.u32 s9, $0x1  }
0xa: {  	s7 =	sadd.s32 s10, s7;
	s10 =	sshrl.u32 @!p0 s2, $0x3;
	s6 =	sadd.s32 s6, s5  }
0xb: {  	s9 =	ssub.s32 s9, s11;
	s5 =	sadd.s32 $0x3800, s7;
	s11 =	simm.s32 $0x4080  }
0xc: {  	v0 =	vimm.f32 $0.0e+00;
	v1 =	vimm.f32 $1.000000000e+00;
	s6 =	sadd.s32 $0x13E00, s6;
	s7 =	smax.u32 s9, $0x1;
	s9 =	simm.s32 $0x4000  }
.LBB2_1:
0xd: {  	[tilespmem:s3], [sflag:$0x1] =	stream.linear.gather [hbm4b:s5+s3], $0x3E80, $0x38;
	[tilespmem:$0x6B00] =	vst v63  }
0xe: {  	_ =	swait.ge [sflag:s8], $0x3E80  }
0xf: {  	[sflag:s8] =	ssyncset.done $0x0  }
0x10: {  	[sflag:s8] =	ssyncadd.s32 $0xFFFFC180  }
0x11: {  	[tilespmem:s9], [sflag:$0x1] =	stream.linear.gather [hbm4b:s1+s3], $0x80, $0x38;
	[tilespmem:$0x6B00] =	vst v63  }
0x12: {  	_ =	swait.ge [sflag:s8], $0x80  }
0x13: {  	[sflag:s8] =	ssyncset.done $0x0  }
0x14: {  	s14 =	simm.s32 @!p0 $0x1C01;
	[sflag:s8] =	ssyncadd.s32 $0xFFFFFF80  }
0x15: {  	[spmem:s10], [sflag:s14] =	dma.local @!p0 [hbm:s4], $0x500  }
0x16: {  	s14 =	simm.s32 @!p0 $0x1  }
0x17: {  	_ =	swait.ge @!p0 [sflag:s14], $0x500  }
0x18: {  	[sflag:s14] =	ssyncset.done @!p0 $0x0  }
0x19: {  	s15 =	simm.s32 $0x200;
	[sflag:s14] =	ssyncadd.s32 @!p0 $0xFFFFFB00;
	s14 =	simm.s32 $0x0  }
.LBB2_2:
0x1a: {  	p1 =	sne.s32 s15, $0x9E00;
	[tilespmem:s14+$0x40F0] =	vst v0  }
0x1b: {  	[tilespmem:s14+$0x4080] =	vst v0  }
0x1c: {  	[tilespmem:s14+$0x4090] =	vst v0  }
.Ltmp0:
0x1d: {  	[tilespmem:s14+$0x40A0] =	vst v0;
	(pc) =	sbr.rel @p1 .LBB2_2-.Ltmp0, $4  }
0x1e: {  	[tilespmem:s14+$0x40B0] =	vst v0  }
0x1f: {  	[tilespmem:s14+$0x40C0] =	vst v0  }
0x20: {  	[tilespmem:s14+$0x40D0] =	vst v0  }
0x21: {  	[tilespmem:s14+$0x40E0] =	vst v0;
	s14 =	sshra.s32 s15, $0x2;
	s15 =	sadd.s32 $0x200, s15  }
0x22: {  	[tilespmem:s14+$0x40F0] =	vst v0  }
0x23: {  	[tilespmem:s14+$0x4080] =	vst v0  }
0x24: {  	[tilespmem:s14+$0x4090] =	vst v0  }
0x25: {  	[tilespmem:s14+$0x40A0] =	vst v0  }
0x26: {  	[tilespmem:s14+$0x40B0] =	vst v0  }
0x27: {  	[tilespmem:s14+$0x40C0] =	vst v0  }
0x28: {  	[tilespmem:s14+$0x40D0] =	vst v0  }
0x29: {  	[tilespmem:s14+$0x40E0] =	vst v0;
	s14 =	simm.s32 $0x0  }
.LBB2_4:
0x2a: {  	s15 =	sshra.s32 s14, $0x2  }
0x2b: {  	v2 =	vld [tilespmem:s15+$0x0];
	_ =	sdelay $0x7  }
0x2c: {  	[tilespmem:v2+s11+$0x0] =	vst.idx.add.f32.msk $0xffff, v1  }
0x2d: {  	v2 =	vld [tilespmem:s15+$0x10];
	_ =	sdelay $0x7  }
0x2e: {  	[tilespmem:v2+s11+$0x0] =	vst.idx.add.f32.msk $0xffff, v1  }
0x2f: {  	v2 =	vld [tilespmem:s15+$0x20];
	_ =	sdelay $0x7  }
0x30: {  	[tilespmem:v2+s11+$0x0] =	vst.idx.add.f32.msk $0xffff, v1  }
0x31: {  	v2 =	vld [tilespmem:s15+$0x30];
	_ =	sdelay $0x7  }
0x32: {  	[tilespmem:v2+s11+$0x0] =	vst.idx.add.f32.msk $0xffff, v1  }
0x33: {  	v2 =	vld [tilespmem:s15+$0x40];
	_ =	sdelay $0x2  }
0x34: {  	p1 =	sne.s32 s14, $0xF800  }
.Ltmp1:
0x35: {  	_ = 	snop;
	(pc) =	sbr.rel @p1 .LBB2_4-.Ltmp1, $2  }
0x36: {  	_ =	sdelay $0x2  }
0x37: {  	s14 =	sadd.s32 $0x200, s14;
	[tilespmem:v2+s11+$0x0] =	vst.idx.add.f32.msk $0xffff, v1  }
0x38: {  	[bflag:$0x0] =	sbarrier.arrive $0xFFFF  }
0x39: {  	[spmem:s2] =	stream.indirect.scatter.add.f32 [tilespmem:s11], [sflag:$0x1], $0x80, s9, s12, $0xb8;
	[tilespmem:$0x6B00] =	vst v63  }
0x3a: {  	_ =	swait.ge [sflag:s8], $0x2800  }
0x3b: {  	[sflag:s8] =	ssyncset.done $0x0  }
0x3c: {  	s13 =	sadd.s32 $0x1, s13;
	[sflag:s8] =	ssyncadd.s32 $0xFFFFD800  }
0x3d: {  	s14 =	simm.s32 @!p0 $0x1C01;
	p1 =	sne.s32 s13, s7;
	[bflag:$0x0] =	sbarrier.arrive $0xFFFF  }
0x3e: {  	[hbm:s6], [sflag:s14] =	dma.local @!p0 [spmem:s10], $0x500  }
.Ltmp2:
0x3f: {  	_ = 	snop;
	(pc) =	sbr.rel @p1 .LBB2_1-.Ltmp2, $4  }
0x40: {  	s14 =	simm.s32 @!p0 $0x1  }
0x41: {  	_ =	swait.ge @!p0 [sflag:s14], $0x500  }
0x42: {  	[sflag:s14] =	ssyncset.done @!p0 $0x0  }
0x43: {  	[sflag:s14] =	ssyncadd.s32 @!p0 $0xFFFFFB00  }
0x44: {  	_ =	sfence.sel $0x180000  }
0x45: {  	[bflag:$0x0] =	sbarrier.arrive $0xFFFF  }
0x46: {  	_ =	strace $0x90000047  }
0x47: {  	s0 =	sadd.s32 @!p0 $0x100000, s0;
	[bflag:$0x2] =	sbarrier.arrive $0xFFFF  }
0x48: {  	[sflag:s0] =	ssyncadd.tile.s32 @!p0 $0x1;
	_ =	shalt  }
.Lfunc_end2:
_tile_overlayer_lowered:
.L_overlay_start_2:
0x49: {  	(tag) =	ssettag $0x2  }
0x4a: {  	s0 =	rddreg [dreg:$0x0];
	s2 =	stileid.u32  }
0x4b: {  	s1 =	rddreg [dreg:$0x1];
	p0 =	sne.s32 s2, $0x0  }
0x4c: {  	s3 =	rddreg [dreg:$0x2];
	[bflag:$0x3] =	sbarrier.arrive $0xFFFF;
	s2 =	simm.s32 @!p0 $0x1C01  }
0x4d: {  	[timem:s3], [sflag:s2] =	dma.local @!p0 [hbm:s0], s1  }
0x4e: {  	s0 =	simm.s32 @!p0 $0x1  }
0x4f: {  	_ =	swait.ge @!p0 [sflag:s0], s1  }
0x50: {  	s1 =	ssub.s32 @!p0 $0x0, s1;
	[sflag:s0] =	ssyncset.done @!p0 $0x0  }
0x51: {  	[sflag:s0] =	ssyncadd.s32 @!p0 s1  }
0x52: {  	[bflag:$0x3] =	sbarrier.arrive $0xFFFF  }
0x53: {  	_ =	shalt  }

</sc_bundles>
